<compile_context>
chip_gen: v7x
topology: tpu7x:2x2x1
jax: 0.10.2.dev20260603
libtpu: 0.0.44.dev20260713+nightly
codegen_flags: <defaults>
</compile_context>

<pallas_src>
import jax
import jax.numpy as jnp
from jax import lax
from jax.experimental import pallas as pl
from jax.experimental.pallas import tpu as pltpu
from jax.experimental.pallas import tpu_sc as plsc

B = 512
L = 100
NNODES = 1000
LOOKBACK = 30
NPAD = 1024
LPAD = 128
NC = 2
NS = 16
LANES = 16
NWORK = NC * NS
SPW = B // NWORK

NCHUNKS = 63
TAIL_VALID = NNODES - (NCHUNKS - 1) * LANES
LN2 = 0.6931471805599453
SQRT2 = 1.4142135623730951


def _proj_body(x_ref, w_ref, dist_ref, wv_ref, yk_ref, l0_ref):
    xb = x_ref[...]
    w = w_ref[...]
    wl = w[:, 0].reshape(1, LOOKBACK, 1)
    wr = w[:, 1].reshape(1, LOOKBACK, 1)
    y = jnp.sum(xb * wl, axis=1)
    z = jnp.sum(xb * wr, axis=1)
    w_out = wv_ref[0]
    w_dist = wv_ref[1]
    yk = w_out * y
    l0 = w_out * z + w_dist * dist_ref[...]
    pad = jnp.zeros((y.shape[0], NPAD - NNODES), jnp.float32)
    yk_ref[...] = jnp.concatenate([yk, pad], axis=1)
    l0_ref[...] = jnp.concatenate([l0, pad], axis=1).astype(jnp.bfloat16)


def _project(x, w, dist2d, wv):
    Bb = 64
    return pl.pallas_call(
        _proj_body,
        grid=(B // Bb,),
        in_specs=[
            pl.BlockSpec((Bb, LOOKBACK, NNODES), lambda b: (b, 0, 0)),
            pl.BlockSpec((LOOKBACK, 2), lambda b: (0, 0)),
            pl.BlockSpec((1, NNODES), lambda b: (0, 0)),
            pl.BlockSpec(memory_space=pltpu.SMEM),
        ],
        out_specs=[
            pl.BlockSpec((Bb, NPAD), lambda b: (b, 0)),
            pl.BlockSpec((Bb, NPAD), lambda b: (b, 0)),
        ],
        out_shape=[
            jax.ShapeDtypeStruct((B, NPAD), jnp.float32),
            jax.ShapeDtypeStruct((B, NPAD), jnp.bfloat16),
        ],
    )(x, w, dist2d, wv)


def _vlog(v):
    bits = plsc.bitcast(v, jnp.int32)
    e = jnp.right_shift(bits, 23) - 127
    mant = jnp.bitwise_or(jnp.bitwise_and(bits, 0x7FFFFF), 127 << 23)
    m = plsc.bitcast(mant, jnp.float32)
    big = m > SQRT2
    m = jnp.where(big, m * 0.5, m)
    ef = (e + jnp.where(big, 1, 0)).astype(jnp.float32)
    r = (m - 1.0) / (m + 1.0)
    r2 = r * r
    ln_m = 2.0 * r * (1.0 + r2 * (1.0 / 3.0 + r2 * (0.2 + r2 * (1.0 / 7.0 + r2 / 9.0))))
    return ln_m + ef * LN2


def _sample_fused(j, stops_v, y_v, out_v, sums_v, cnt_v):
    zero16f = jnp.zeros((LANES,), jnp.float32)
    ones16f = jnp.ones((LANES,), jnp.float32)
    one16f = jnp.full((LANES,), 1.0, jnp.float32)
    lane = lax.broadcasted_iota(jnp.int32, (LANES,), 0)
    js = jnp.zeros((LANES,), jnp.int32) + j
    edge_tail = lane < ((L - 1) - 6 * LANES)

    didx = [plsc.load_gather(stops_v, [js, lane + (c * LANES + 1)])
            for c in range(7)]
    emask = [None] * 6 + [edge_tail]
    for c in range(7):
        plsc.store_scatter(sums_v, [didx[c]], zero16f, mask=emask[c])
        plsc.store_scatter(cnt_v, [didx[c]], zero16f, mask=emask[c])
    for c in range(7):
        sidx = plsc.load_gather(stops_v, [js, lane + c * LANES])
        vals = plsc.load_gather(y_v, [js, sidx])
        plsc.addupdate_scatter(sums_v, [didx[c]], vals, mask=emask[c])
        plsc.addupdate_scatter(cnt_v, [didx[c]], ones16f, mask=emask[c])
    for c in range(7):
        sc_ = plsc.load_gather(sums_v, [didx[c]])
        cc = plsc.load_gather(cnt_v, [didx[c]])
        plsc.store_scatter(out_v, [js, didx[c]],
                           sc_ / jnp.maximum(cc, one16f), mask=emask[c])


def _seg_mean_body(stops_hbm, y_hbm, agg_hbm,
                   stops_v0, stops_v1, y_v0, y_v1, out_v0, out_v1,
                   sums_v, cnt_v, sem_in0, sem_in1, sem_out0, sem_out1):
    cid = lax.axis_index("c")
    sid = lax.axis_index("s")
    wid = sid * NC + cid
    base = wid * SPW
    GRP = 8
    zero16f = jnp.zeros((LANES,), jnp.float32)

    def start_in(b0, sv, yv, sem):
        pltpu.async_copy(stops_hbm.at[pl.ds(b0, GRP)], sv, sem)
        pltpu.async_copy(y_hbm.at[pl.ds(b0, GRP)], yv, sem)

    def wait_in(b0, sv, yv, sem):
        pltpu.make_async_copy(stops_hbm.at[pl.ds(b0, GRP)], sv, sem).wait()
        pltpu.make_async_copy(y_hbm.at[pl.ds(b0, GRP)], yv, sem).wait()

    def run_group(b0, sv, yv, ov, sem_out):
        def zero_row(j, carry):
            js = jnp.zeros((LANES,), jnp.int32) + j
            lane = lax.broadcasted_iota(jnp.int32, (LANES,), 0)
            for k in range(NPAD // LANES):
                plsc.store_scatter(ov, [js, lane + k * LANES], zero16f)
            return carry
        lax.fori_loop(0, GRP, zero_row, 0)

        def inner(j, carry):
            _sample_fused(j, sv, yv, ov, sums_v, cnt_v)
            return carry
        lax.fori_loop(0, GRP, inner, 0)
        pltpu.async_copy(ov, agg_hbm.at[pl.ds(b0, GRP)], sem_out)

    start_in(base, stops_v0, y_v0, sem_in0)
    start_in(base + GRP, stops_v1, y_v1, sem_in1)
    wait_in(base, stops_v0, y_v0, sem_in0)
    run_group(base, stops_v0, y_v0, out_v0, sem_out0)
    wait_in(base + GRP, stops_v1, y_v1, sem_in1)
    run_group(base + GRP, stops_v1, y_v1, out_v1, sem_out1)
    pltpu.make_async_copy(out_v0, agg_hbm.at[pl.ds(base, GRP)], sem_out0).wait()
    pltpu.make_async_copy(out_v1, agg_hbm.at[pl.ds(base, GRP)], sem_out1).wait()


def _seg_mean(stops_padded, yk):
    mesh = plsc.VectorSubcoreMesh(
        core_axis_name="c", subcore_axis_name="s", num_cores=NC, num_subcores=NS
    )
    f = pl.kernel(
        _seg_mean_body,
        out_type=jax.ShapeDtypeStruct((B, NPAD), jnp.float32),
        mesh=mesh,
        scratch_types=[
            pltpu.VMEM((8, LPAD), jnp.int32),
            pltpu.VMEM((8, LPAD), jnp.int32),
            pltpu.VMEM((8, NPAD), jnp.float32),
            pltpu.VMEM((8, NPAD), jnp.float32),
            pltpu.VMEM((8, NPAD), jnp.float32),
            pltpu.VMEM((8, NPAD), jnp.float32),
            pltpu.VMEM((NPAD,), jnp.float32),
            pltpu.VMEM((NPAD,), jnp.float32),
            pltpu.SemaphoreType.DMA,
            pltpu.SemaphoreType.DMA,
            pltpu.SemaphoreType.DMA,
            pltpu.SemaphoreType.DMA,
        ],
        compiler_params=pltpu.CompilerParams(needs_layout_passes=False),
    )
    return f(stops_padded, yk)


def _logits_body(agg_ref, l0_ref, mask_ref, out_ref):
    a = agg_ref[...][:, :NNODES]
    l0 = l0_ref[...][:, :NNODES].astype(jnp.float32)
    logits = a + l0
    m = jnp.max(logits, axis=1, keepdims=True)
    ex = jnp.exp(logits - m)
    lse = jnp.log(jnp.sum(ex, axis=1, keepdims=True)) + m
    logp = logits - lse
    msk = mask_ref[...] != 0
    out_ref[...] = jnp.where(msk, jnp.float32(-1e8), logp)


def _logits(agg, l0, x_mask):
    Bc = 128
    return pl.pallas_call(
        _logits_body,
        grid=(B // Bc,),
        in_specs=[
            pl.BlockSpec((Bc, NPAD), lambda b: (b, 0)),
            pl.BlockSpec((Bc, NPAD), lambda b: (b, 0)),
            pl.BlockSpec((Bc, NNODES), lambda b: (b, 0)),
        ],
        out_specs=pl.BlockSpec((Bc, NNODES), lambda b: (b, 0)),
        out_shape=jax.ShapeDtypeStruct((B, NNODES), jnp.float32),
    )(agg, l0, x_mask)


def kernel(stops, x, x_dist, x_features, x_week, x_mask, stop_emb_table,
           week_emb_table, W_l, b_l, W_r, W_fc2, b_fc2):
    w = jnp.concatenate([W_l, W_r], axis=1)
    wv = jnp.stack([W_fc2[78, 0], W_fc2[79, 0]])
    dist2d = x_dist.reshape(1, NNODES)
    yk, l0 = _project(x, w, dist2d, wv)
    stops_padded = jnp.pad(stops, ((0, 0), (0, LPAD - L)))
    agg = _seg_mean(stops_padded, yk)
    return _logits(agg, l0, x_mask)

# --- scband reference (transcript-rebuilt; emitter-appended) ---
"""Pipeline reference for scband-gnnsage-13709535608835 (READ-ONLY COPY).

The authoritative reference and input builder live on the scoring server;
editing this copy changes nothing except your own understanding.
"""

import jax, jax.numpy as jnp
import numpy as np

B = 512
L = 100
NNODES = 1000
LOOKBACK = 30
EMB = 64
STOP_EMB = 12
NFEAT = 2
NWEEK = 7


def setup_inputs(seed: int = 0) -> dict:
    key = jax.random.key(seed)
    ks = jax.random.split(key, 12)
    inp = {}
    inp["stops"] = jax.random.randint(ks[0], (B, L), 0, NNODES, dtype=jnp.int32)
    inp["x"] = jax.random.normal(ks[1], (B, LOOKBACK, NNODES), dtype=jnp.float32)
    inp["x_dist"] = jax.random.uniform(ks[2], (NNODES,), dtype=jnp.float32)
    inp["x_features"] = jax.random.normal(ks[3], (B, NFEAT), dtype=jnp.float32)
    inp["x_week"] = jax.random.randint(ks[4], (B,), 0, NWEEK, dtype=jnp.int32)
    inp["x_mask"] = jax.random.randint(ks[5], (B, NNODES), 0, 2, dtype=jnp.int32)
    # learned parameters
    inp["stop_emb_table"] = jax.random.normal(ks[6], (NNODES, STOP_EMB), dtype=jnp.float32)
    inp["week_emb_table"] = jax.random.normal(ks[7], (NWEEK, EMB), dtype=jnp.float32)
    inp["W_l"] = jax.random.normal(ks[8], (LOOKBACK, 1), dtype=jnp.float32) / np.sqrt(LOOKBACK)
    inp["b_l"] = jnp.zeros((1,), dtype=jnp.float32)
    inp["W_r"] = jax.random.normal(ks[9], (LOOKBACK, 1), dtype=jnp.float32) / np.sqrt(LOOKBACK)
    fc2_in = EMB + NFEAT + 2 + STOP_EMB
    inp["W_fc2"] = jax.random.normal(ks[10], (fc2_in, 1), dtype=jnp.float32) / np.sqrt(fc2_in)
    inp["b_fc2"] = jnp.zeros((1,), dtype=jnp.float32)
    return inp


def _forward(x, x_dist, x_features, stop_emb_table, week_emb_table, W_l, b_l, W_r, W_fc2, b_fc2, stops, x_week, x_mask):
    Bn, Ln = stops.shape
    n_nodes = x.shape[2]
    lookback = x.shape[1]
    # create_batched_graph: batch.x = concat_i x[i].T  -> [B*nnodes, lookback]
    node_x = jnp.transpose(x, (0, 2, 1)).reshape(Bn * n_nodes, lookback)
    # per-sample trajectory edges, offset by i*nnodes (Batch.from_data_list)
    offsets = (jnp.arange(Bn, dtype=stops.dtype) * n_nodes)[:, None]
    src = (stops[:, :-1] + offsets).reshape(-1)
    dst = (stops[:, 1:] + offsets).reshape(-1)
    # SAGEConv(lookback, 1), mean aggregation: out = lin_l(mean_neigh) + lin_r(x)
    msg = jnp.take(node_x, src, axis=0)
    agg_sum = jax.ops.segment_sum(msg, dst, num_segments=Bn * n_nodes)
    cnt = jax.ops.segment_sum(jnp.ones_like(dst, dtype=node_x.dtype), dst, num_segments=Bn * n_nodes)
    agg = agg_sum / jnp.maximum(cnt, 1.0)[:, None]
    out = agg @ W_l + b_l + node_x @ W_r  # [B*nnodes, 1]
    # x_embed: sum of stop embeddings along each trajectory
    x_embed = jnp.take(stop_emb_table, stops, axis=0).sum(axis=1)  # [B, STOP_EMB]
    # weekday embedding (onehot=False, weekly=False branch)
    x_emb = jnp.take(week_emb_table, x_week, axis=0)  # [B, EMB]
    x_cat = jnp.concatenate([x_emb, x_features], axis=1)
    feat = jnp.concatenate([
        jnp.broadcast_to(x_cat[:, None, :], (Bn, n_nodes, x_cat.shape[-1])),
        jnp.broadcast_to(x_embed[:, None, :], (Bn, n_nodes, x_embed.shape[-1])),
        out.reshape(Bn, n_nodes, 1),
        jnp.broadcast_to(x_dist[None, :, None], (Bn, n_nodes, 1)),
    ], axis=-1)
    logits = (feat @ W_fc2 + b_fc2)[..., 0]  # [B, nnodes]
    logp = jax.nn.log_softmax(logits, axis=1)
    # decision_focused=False branch: log_softmax then masked_fill(mask, -1e8)
    return jnp.where(x_mask.astype(bool), jnp.float32(-1e8), logp)


def reference(stops, x, x_dist, x_features, x_week, x_mask, stop_emb_table, week_emb_table, W_l, b_l, W_r, W_fc2, b_fc2):
    return _forward(x, x_dist, x_features, stop_emb_table, week_emb_table, W_l, b_l, W_r, W_fc2, b_fc2, stops, x_week, x_mask)

if __name__ == "__main__":
    import jax
    _d = setup_inputs()
    print(jax.jit(kernel)(*tuple(_d.values())))

</pallas_src>

<mosaic_0001>
#map = affine_map<(d0, d1) -> (0, 0)>
module attributes {stable_mosaic.version = 14 : i64} {
  func.func @_seg_mean_body(%arg0: i32, %arg1: i32, %arg2: memref<512x128xi32, #tpu.memory_space<hbm>>, %arg3: memref<512x1024xf32, #tpu.memory_space<hbm>>, %arg4: memref<512x1024xf32, #tpu.memory_space<hbm>>, %arg5: memref<8x128xi32, #tpu.memory_space<vmem>>, %arg6: memref<8x128xi32, #tpu.memory_space<vmem>>, %arg7: memref<8x1024xf32, #tpu.memory_space<vmem>>, %arg8: memref<8x1024xf32, #tpu.memory_space<vmem>>, %arg9: memref<8x1024xf32, #tpu.memory_space<vmem>>, %arg10: memref<8x1024xf32, #tpu.memory_space<vmem>>, %arg11: memref<1024xf32, #tpu.memory_space<vmem>>, %arg12: memref<1024xf32, #tpu.memory_space<vmem>>, %arg13: memref<!tpu.dma_semaphore, #tpu.memory_space<semaphore_mem>>, %arg14: memref<!tpu.dma_semaphore, #tpu.memory_space<semaphore_mem>>, %arg15: memref<!tpu.dma_semaphore, #tpu.memory_space<semaphore_mem>>, %arg16: memref<!tpu.dma_semaphore, #tpu.memory_space<semaphore_mem>>) attributes {dimension_semantics = [#tpu.dimension_semantics<core_parallel>, #tpu.dimension_semantics<subcore_parallel>], iteration_bounds = array<i64: 2, 16>, scalar_prefetch = 0 : i64, scratch_operands = 12 : i64, tpu.core_type = #tpu.core_type<sc_vector_subcore>, window_params = [{transform_indices = #map}, {transform_indices = #map}, {transform_indices = #map}]} {
    %mul3A = arith.constant 2 : i32
    %mul3A_0 = arith.muli %arg1, %mul3A : i32
    %add3A = arith.addi %mul3A_0, %arg0 : i32
    %mul3A_1 = arith.constant 16 : i32
    %mul3A_2 = arith.muli %add3A, %mul3A_1 : i32
    %broadcast_in_dim3A = arith.constant 0.000000e+00 : f32
    %broadcast_in_dim3A_3 = vector.broadcast %broadcast_in_dim3A : f32 to vector<16xf32>
    %dma_start3A = arith.constant 0 : i32
    %dma_start3A_4 = tpu.memref_slice %arg2[%mul3A_2, %dma_start3A] : memref<512x128xi32, #tpu.memory_space<hbm>> -> memref<8x128xi32, #tpu.memory_space<hbm>>
    %dma_start3A_5 = arith.constant 0 : i32
    %dma_start3A_6 = tpu.memref_slice %arg2[%mul3A_2, %dma_start3A_5] : memref<512x128xi32, #tpu.memory_space<hbm>> -> memref<8x128xi32, #tpu.memory_space<hbm>>
    tpu.enqueue_dma source(%dma_start3A_6 : memref<8x128xi32, #tpu.memory_space<hbm>>) target(%arg5 : memref<8x128xi32, #tpu.memory_space<vmem>>) target_semaphore(%arg13 : memref<!tpu.dma_semaphore, #tpu.memory_space<semaphore_mem>>)
    %dma_start3A_7 = arith.constant 0 : i32
    %dma_start3A_8 = tpu.memref_slice %arg3[%mul3A_2, %dma_start3A_7] : memref<512x1024xf32, #tpu.memory_space<hbm>> -> memref<8x1024xf32, #tpu.memory_space<hbm>>
    %dma_start3A_9 = arith.constant 0 : i32
    %dma_start3A_10 = tpu.memref_slice %arg3[%mul3A_2, %dma_start3A_9] : memref<512x1024xf32, #tpu.memory_space<hbm>> -> memref<8x1024xf32, #tpu.memory_space<hbm>>
    tpu.enqueue_dma source(%dma_start3A_10 : memref<8x1024xf32, #tpu.memory_space<hbm>>) target(%arg7 : memref<8x1024xf32, #tpu.memory_space<vmem>>) target_semaphore(%arg13 : memref<!tpu.dma_semaphore, #tpu.memory_space<semaphore_mem>>)
    %add3A_11 = arith.constant 8 : i32
    %add3A_12 = arith.addi %mul3A_2, %add3A_11 : i32
    %dma_start3A_13 = arith.constant 0 : i32
    %dma_start3A_14 = tpu.memref_slice %arg2[%add3A_12, %dma_start3A_13] : memref<512x128xi32, #tpu.memory_space<hbm>> -> memref<8x128xi32, #tpu.memory_space<hbm>>
    %dma_start3A_15 = arith.constant 0 : i32
    %dma_start3A_16 = tpu.memref_slice %arg2[%add3A_12, %dma_start3A_15] : memref<512x128xi32, #tpu.memory_space<hbm>> -> memref<8x128xi32, #tpu.memory_space<hbm>>
    tpu.enqueue_dma source(%dma_start3A_16 : memref<8x128xi32, #tpu.memory_space<hbm>>) target(%arg6 : memref<8x128xi32, #tpu.memory_space<vmem>>) target_semaphore(%arg14 : memref<!tpu.dma_semaphore, #tpu.memory_space<semaphore_mem>>)
    %dma_start3A_17 = arith.constant 0 : i32
    %dma_start3A_18 = tpu.memref_slice %arg3[%add3A_12, %dma_start3A_17] : memref<512x1024xf32, #tpu.memory_space<hbm>> -> memref<8x1024xf32, #tpu.memory_space<hbm>>
    %dma_start3A_19 = arith.constant 0 : i32
    %dma_start3A_20 = tpu.memref_slice %arg3[%add3A_12, %dma_start3A_19] : memref<512x1024xf32, #tpu.memory_space<hbm>> -> memref<8x1024xf32, #tpu.memory_space<hbm>>
    tpu.enqueue_dma source(%dma_start3A_20 : memref<8x1024xf32, #tpu.memory_space<hbm>>) target(%arg8 : memref<8x1024xf32, #tpu.memory_space<vmem>>) target_semaphore(%arg14 : memref<!tpu.dma_semaphore, #tpu.memory_space<semaphore_mem>>)
    %dma_wait3A = arith.constant 0 : i32
    %dma_wait3A_21 = tpu.memref_slice %arg2[%mul3A_2, %dma_wait3A] : memref<512x128xi32, #tpu.memory_space<hbm>> -> memref<8x128xi32, #tpu.memory_space<hbm>>
    %dma_wait3A_22 = arith.constant 0 : i32
    %dma_wait3A_23 = tpu.memref_slice %arg2[%mul3A_2, %dma_wait3A_22] : memref<512x128xi32, #tpu.memory_space<hbm>> -> memref<8x128xi32, #tpu.memory_space<hbm>>
    tpu.wait_dma2 semaphore(%arg13 : memref<!tpu.dma_semaphore, #tpu.memory_space<semaphore_mem>>) src(%dma_wait3A_23 : memref<8x128xi32, #tpu.memory_space<hbm>>) dst(%arg5 : memref<8x128xi32, #tpu.memory_space<vmem>>)
    %dma_wait3A_24 = arith.constant 0 : i32
    %dma_wait3A_25 = tpu.memref_slice %arg3[%mul3A_2, %dma_wait3A_24] : memref<512x1024xf32, #tpu.memory_space<hbm>> -> memref<8x1024xf32, #tpu.memory_space<hbm>>
    %dma_wait3A_26 = arith.constant 0 : i32
    %dma_wait3A_27 = tpu.memref_slice %arg3[%mul3A_2, %dma_wait3A_26] : memref<512x1024xf32, #tpu.memory_space<hbm>> -> memref<8x1024xf32, #tpu.memory_space<hbm>>
    tpu.wait_dma2 semaphore(%arg13 : memref<!tpu.dma_semaphore, #tpu.memory_space<semaphore_mem>>) src(%dma_wait3A_27 : memref<8x1024xf32, #tpu.memory_space<hbm>>) dst(%arg7 : memref<8x1024xf32, #tpu.memory_space<vmem>>)
    %scan3A = arith.constant 0 : i32
    %scan3A_28 = arith.constant 0 : i32
    %scan3A_29 = arith.constant 8 : i32
    %scan3A_30 = arith.addi %scan3A_28, %scan3A_29 : i32
    %scan3A_31 = arith.constant 1 : i32
    scf.for %scan3A_79 = %scan3A_28 to %scan3A_30 step %scan3A_31  : i32 {
      %broadcast_in_dim3A_80 = arith.constant 0 : i32
      %broadcast_in_dim3A_81 = vector.broadcast %broadcast_in_dim3A_80 : i32 to vector<16xi32>
      %add3A_82 = vector.broadcast %scan3A_79 : i32 to vector<16xi32>
      %add3A_83 = arith.addi %broadcast_in_dim3A_81, %add3A_82 : vector<16xi32>
      %iota3A = tpu.iota {dimensions = array<i32: 0>} : vector<16xi32>
      %add3A_84 = arith.constant 0 : i32
      %add3A_85 = vector.broadcast %add3A_84 : i32 to vector<16xi32>
      %add3A_86 = arith.addi %iota3A, %add3A_85 : vector<16xi32>
      tpu.vector_store_idx %arg9[%add3A_83, %add3A_86], %broadcast_in_dim3A_3 : memref<8x1024xf32, #tpu.memory_space<vmem>>[vector<16xi32>, vector<16xi32>], vector<16xf32>,
      %add3A_87 = arith.constant 16 : i32
      %add3A_88 = vector.broadcast %add3A_87 : i32 to vector<16xi32>
      %add3A_89 = arith.addi %iota3A, %add3A_88 : vector<16xi32>
      tpu.vector_store_idx %arg9[%add3A_83, %add3A_89], %broadcast_in_dim3A_3 : memref<8x1024xf32, #tpu.memory_space<vmem>>[vector<16xi32>, vector<16xi32>], vector<16xf32>,
      %add3A_90 = arith.constant 32 : i32
      %add3A_91 = vector.broadcast %add3A_90 : i32 to vector<16xi32>
      %add3A_92 = arith.addi %iota3A, %add3A_91 : vector<16xi32>
      tpu.vector_store_idx %arg9[%add3A_83, %add3A_92], %broadcast_in_dim3A_3 : memref<8x1024xf32, #tpu.memory_space<vmem>>[vector<16xi32>, vector<16xi32>], vector<16xf32>,
      %add3A_93 = arith.constant 48 : i32
      %add3A_94 = vector.broadcast %add3A_93 : i32 to vector<16xi32>
      %add3A_95 = arith.addi %iota3A, %add3A_94 : vector<16xi32>
      tpu.vector_store_idx %arg9[%add3A_83, %add3A_95], %broadcast_in_dim3A_3 : memref<8x1024xf32, #tpu.memory_space<vmem>>[vector<16xi32>, vector<16xi32>], vector<16xf32>,
      %add3A_96 = arith.constant 64 : i32
      %add3A_97 = vector.broadcast %add3A_96 : i32 to vector<16xi32>
      %add3A_98 = arith.addi %iota3A, %add3A_97 : vector<16xi32>
      tpu.vector_store_idx %arg9[%add3A_83, %add3A_98], %broadcast_in_dim3A_3 : memref<8x1024xf32, #tpu.memory_space<vmem>>[vector<16xi32>, vector<16xi32>], vector<16xf32>,
      %add3A_99 = arith.constant 80 : i32
      %add3A_100 = vector.broadcast %add3A_99 : i32 to vector<16xi32>
      %add3A_101 = arith.addi %iota3A, %add3A_100 : vector<16xi32>
      tpu.vector_store_idx %arg9[%add3A_83, %add3A_101], %broadcast_in_dim3A_3 : memref<8x1024xf32, #tpu.memory_space<vmem>>[vector<16xi32>, vector<16xi32>], vector<16xf32>,
      %add3A_102 = arith.constant 96 : i32
      %add3A_103 = vector.broadcast %add3A_102 : i32 to vector<16xi32>
      %add3A_104 = arith.addi %iota3A, %add3A_103 : vector<16xi32>
      tpu.vector_store_idx %arg9[%add3A_83, %add3A_104], %broadcast_in_dim3A_3 : memref<8x1024xf32, #tpu.memory_space<vmem>>[vector<16xi32>, vector<16xi32>], vector<16xf32>,
      %add3A_105 = arith.constant 112 : i32
      %add3A_106 = vector.broadcast %add3A_105 : i32 to vector<16xi32>
      %add3A_107 = arith.addi %iota3A, %add3A_106 : vector<16xi32>
      tpu.vector_store_idx %arg9[%add3A_83, %add3A_107], %broadcast_in_dim3A_3 : memref<8x1024xf32, #tpu.memory_space<vmem>>[vector<16xi32>, vector<16xi32>], vector<16xf32>,
      %add3A_108 = arith.constant 128 : i32
      %add3A_109 = vector.broadcast %add3A_108 : i32 to vector<16xi32>
      %add3A_110 = arith.addi %iota3A, %add3A_109 : vector<16xi32>
      tpu.vector_store_idx %arg9[%add3A_83, %add3A_110], %broadcast_in_dim3A_3 : memref<8x1024xf32, #tpu.memory_space<vmem>>[vector<16xi32>, vector<16xi32>], vector<16xf32>,
      %add3A_111 = arith.constant 144 : i32
      %add3A_112 = vector.broadcast %add3A_111 : i32 to vector<16xi32>
      %add3A_113 = arith.addi %iota3A, %add3A_112 : vector<16xi32>
      tpu.vector_store_idx %arg9[%add3A_83, %add3A_113], %broadcast_in_dim3A_3 : memref<8x1024xf32, #tpu.memory_space<vmem>>[vector<16xi32>, vector<16xi32>], vector<16xf32>,
      %add3A_114 = arith.constant 160 : i32
      %add3A_115 = vector.broadcast %add3A_114 : i32 to vector<16xi32>
      %add3A_116 = arith.addi %iota3A, %add3A_115 : vector<16xi32>
      tpu.vector_store_idx %arg9[%add3A_83, %add3A_116], %broadcast_in_dim3A_3 : memref<8x1024xf32, #tpu.memory_space<vmem>>[vector<16xi32>, vector<16xi32>], vector<16xf32>,
      %add3A_117 = arith.constant 176 : i32
      %add3A_118 = vector.broadcast %add3A_117 : i32 to vector<16xi32>
      %add3A_119 = arith.addi %iota3A, %add3A_118 : vector<16xi32>
      tpu.vector_store_idx %arg9[%add3A_83, %add3A_119], %broadcast_in_dim3A_3 : memref<8x1024xf32, #tpu.memory_space<vmem>>[vector<16xi32>, vector<16xi32>], vector<16xf32>,
      %add3A_120 = arith.constant 192 : i32
      %add3A_121 = vector.broadcast %add3A_120 : i32 to vector<16xi32>
      %add3A_122 = arith.addi %iota3A, %add3A_121 : vector<16xi32>
      tpu.vector_store_idx %arg9[%add3A_83, %add3A_122], %broadcast_in_dim3A_3 : memref<8x1024xf32, #tpu.memory_space<vmem>>[vector<16xi32>, vector<16xi32>], vector<16xf32>,
      %add3A_123 = arith.constant 208 : i32
      %add3A_124 = vector.broadcast %add3A_123 : i32 to vector<16xi32>
      %add3A_125 = arith.addi %iota3A, %add3A_124 : vector<16xi32>
      tpu.vector_store_idx %arg9[%add3A_83, %add3A_125], %broadcast_in_dim3A_3 : memref<8x1024xf32, #tpu.memory_space<vmem>>[vector<16xi32>, vector<16xi32>], vector<16xf32>,
      %add3A_126 = arith.constant 224 : i32
      %add3A_127 = vector.broadcast %add3A_126 : i32 to vector<16xi32>
      %add3A_128 = arith.addi %iota3A, %add3A_127 : vector<16xi32>
      tpu.vector_store_idx %arg9[%add3A_83, %add3A_128], %broadcast_in_dim3A_3 : memref<8x1024xf32, #tpu.memory_space<vmem>>[vector<16xi32>, vector<16xi32>], vector<16xf32>,
      %add3A_129 = arith.constant 240 : i32
      %add3A_130 = vector.broadcast %add3A_129 : i32 to vector<16xi32>
      %add3A_131 = arith.addi %iota3A, %add3A_130 : vector<16xi32>
      tpu.vector_store_idx %arg9[%add3A_83, %add3A_131], %broadcast_in_dim3A_3 : memref<8x1024xf32, #tpu.memory_space<vmem>>[vector<16xi32>, vector<16xi32>], vector<16xf32>,
      %add3A_132 = arith.constant 256 : i32
      %add3A_133 = vector.broadcast %add3A_132 : i32 to vector<16xi32>
      %add3A_134 = arith.addi %iota3A, %add3A_133 : vector<16xi32>
      tpu.vector_store_idx %arg9[%add3A_83, %add3A_134], %broadcast_in_dim3A_3 : memref<8x1024xf32, #tpu.memory_space<vmem>>[vector<16xi32>, vector<16xi32>], vector<16xf32>,
      %add3A_135 = arith.constant 272 : i32
      %add3A_136 = vector.broadcast %add3A_135 : i32 to vector<16xi32>
      %add3A_137 = arith.addi %iota3A, %add3A_136 : vector<16xi32>
      tpu.vector_store_idx %arg9[%add3A_83, %add3A_137], %broadcast_in_dim3A_3 : memref<8x1024xf32, #tpu.memory_space<vmem>>[vector<16xi32>, vector<16xi32>], vector<16xf32>,
      %add3A_138 = arith.constant 288 : i32
      %add3A_139 = vector.broadcast %add3A_138 : i32 to vector<16xi32>
      %add3A_140 = arith.addi %iota3A, %add3A_139 : vector<16xi32>
      tpu.vector_store_idx %arg9[%add3A_83, %add3A_140], %broadcast_in_dim3A_3 : memref<8x1024xf32, #tpu.memory_space<vmem>>[vector<16xi32>, vector<16xi32>], vector<16xf32>,
      %add3A_141 = arith.constant 304 : i32
      %add3A_142 = vector.broadcast %add3A_141 : i32 to vector<16xi32>
      %add3A_143 = arith.addi %iota3A, %add3A_142 : vector<16xi32>
      tpu.vector_store_idx %arg9[%add3A_83, %add3A_143], %broadcast_in_dim3A_3 : memref<8x1024xf32, #tpu.memory_space<vmem>>[vector<16xi32>, vector<16xi32>], vector<16xf32>,
      %add3A_144 = arith.constant 320 : i32
      %add3A_145 = vector.broadcast %add3A_144 : i32 to vector<16xi32>
      %add3A_146 = arith.addi %iota3A, %add3A_145 : vector<16xi32>
      tpu.vector_store_idx %arg9[%add3A_83, %add3A_146], %broadcast_in_dim3A_3 : memref<8x1024xf32, #tpu.memory_space<vmem>>[vector<16xi32>, vector<16xi32>], vector<16xf32>,
      %add3A_147 = arith.constant 336 : i32
      %add3A_148 = vector.broadcast %add3A_147 : i32 to vector<16xi32>
      %add3A_149 = arith.addi %iota3A, %add3A_148 : vector<16xi32>
      tpu.vector_store_idx %arg9[%add3A_83, %add3A_149], %broadcast_in_dim3A_3 : memref<8x1024xf32, #tpu.memory_space<vmem>>[vector<16xi32>, vector<16xi32>], vector<16xf32>,
      %add3A_150 = arith.constant 352 : i32
      %add3A_151 = vector.broadcast %add3A_150 : i32 to vector<16xi32>
      %add3A_152 = arith.addi %iota3A, %add3A_151 : vector<16xi32>
      tpu.vector_store_idx %arg9[%add3A_83, %add3A_152], %broadcast_in_dim3A_3 : memref<8x1024xf32, #tpu.memory_space<vmem>>[vector<16xi32>, vector<16xi32>], vector<16xf32>,
      %add3A_153 = arith.constant 368 : i32
      %add3A_154 = vector.broadcast %add3A_153 : i32 to vector<16xi32>
      %add3A_155 = arith.addi %iota3A, %add3A_154 : vector<16xi32>
      tpu.vector_store_idx %arg9[%add3A_83, %add3A_155], %broadcast_in_dim3A_3 : memref<8x1024xf32, #tpu.memory_space<vmem>>[vector<16xi32>, vector<16xi32>], vector<16xf32>,
      %add3A_156 = arith.constant 384 : i32
      %add3A_157 = vector.broadcast %add3A_156 : i32 to vector<16xi32>
      %add3A_158 = arith.addi %iota3A, %add3A_157 : vector<16xi32>
      tpu.vector_store_idx %arg9[%add3A_83, %add3A_158], %broadcast_in_dim3A_3 : memref<8x1024xf32, #tpu.memory_space<vmem>>[vector<16xi32>, vector<16xi32>], vector<16xf32>,
      %add3A_159 = arith.constant 400 : i32
      %add3A_160 = vector.broadcast %add3A_159 : i32 to vector<16xi32>
      %add3A_161 = arith.addi %iota3A, %add3A_160 : vector<16xi32>
      tpu.vector_store_idx %arg9[%add3A_83, %add3A_161], %broadcast_in_dim3A_3 : memref<8x1024xf32, #tpu.memory_space<vmem>>[vector<16xi32>, vector<16xi32>], vector<16xf32>,
      %add3A_162 = arith.constant 416 : i32
      %add3A_163 = vector.broadcast %add3A_162 : i32 to vector<16xi32>
      %add3A_164 = arith.addi %iota3A, %add3A_163 : vector<16xi32>
      tpu.vector_store_idx %arg9[%add3A_83, %add3A_164], %broadcast_in_dim3A_3 : memref<8x1024xf32, #tpu.memory_space<vmem>>[vector<16xi32>, vector<16xi32>], vector<16xf32>,
      %add3A_165 = arith.constant 432 : i32
      %add3A_166 = vector.broadcast %add3A_165 : i32 to vector<16xi32>
      %add3A_167 = arith.addi %iota3A, %add3A_166 : vector<16xi32>
      tpu.vector_store_idx %arg9[%add3A_83, %add3A_167], %broadcast_in_dim3A_3 : memref<8x1024xf32, #tpu.memory_space<vmem>>[vector<16xi32>, vector<16xi32>], vector<16xf32>,
      %add3A_168 = arith.constant 448 : i32
      %add3A_169 = vector.broadcast %add3A_168 : i32 to vector<16xi32>
      %add3A_170 = arith.addi %iota3A, %add3A_169 : vector<16xi32>
      tpu.vector_store_idx %arg9[%add3A_83, %add3A_170], %broadcast_in_dim3A_3 : memref<8x1024xf32, #tpu.memory_space<vmem>>[vector<16xi32>, vector<16xi32>], vector<16xf32>,
      %add3A_171 = arith.constant 464 : i32
      %add3A_172 = vector.broadcast %add3A_171 : i32 to vector<16xi32>
      %add3A_173 = arith.addi %iota3A, %add3A_172 : vector<16xi32>
      tpu.vector_store_idx %arg9[%add3A_83, %add3A_173], %broadcast_in_dim3A_3 : memref<8x1024xf32, #tpu.memory_space<vmem>>[vector<16xi32>, vector<16xi32>], vector<16xf32>,
      %add3A_174 = arith.constant 480 : i32
      %add3A_175 = vector.broadcast %add3A_174 : i32 to vector<16xi32>
      %add3A_176 = arith.addi %iota3A, %add3A_175 : vector<16xi32>
      tpu.vector_store_idx %arg9[%add3A_83, %add3A_176], %broadcast_in_dim3A_3 : memref<8x1024xf32, #tpu.memory_space<vmem>>[vector<16xi32>, vector<16xi32>], vector<16xf32>,
      %add3A_177 = arith.constant 496 : i32
      %add3A_178 = vector.broadcast %add3A_177 : i32 to vector<16xi32>
      %add3A_179 = arith.addi %iota3A, %add3A_178 : vector<16xi32>
      tpu.vector_store_idx %arg9[%add3A_83, %add3A_179], %broadcast_in_dim3A_3 : memref<8x1024xf32, #tpu.memory_space<vmem>>[vector<16xi32>, vector<16xi32>], vector<16xf32>,
      %add3A_180 = arith.constant 512 : i32
      %add3A_181 = vector.broadcast %add3A_180 : i32 to vector<16xi32>
      %add3A_182 = arith.addi %iota3A, %add3A_181 : vector<16xi32>
      tpu.vector_store_idx %arg9[%add3A_83, %add3A_182], %broadcast_in_dim3A_3 : memref<8x1024xf32, #tpu.memory_space<vmem>>[vector<16xi32>, vector<16xi32>], vector<16xf32>,
      %add3A_183 = arith.constant 528 : i32
      %add3A_184 = vector.broadcast %add3A_183 : i32 to vector<16xi32>
      %add3A_185 = arith.addi %iota3A, %add3A_184 : vector<16xi32>
      tpu.vector_store_idx %arg9[%add3A_83, %add3A_185], %broadcast_in_dim3A_3 : memref<8x1024xf32, #tpu.memory_space<vmem>>[vector<16xi32>, vector<16xi32>], vector<16xf32>,
      %add3A_186 = arith.constant 544 : i32
      %add3A_187 = vector.broadcast %add3A_186 : i32 to vector<16xi32>
      %add3A_188 = arith.addi %iota3A, %add3A_187 : vector<16xi32>
      tpu.vector_store_idx %arg9[%add3A_83, %add3A_188], %broadcast_in_dim3A_3 : memref<8x1024xf32, #tpu.memory_space<vmem>>[vector<16xi32>, vector<16xi32>], vector<16xf32>,
      %add3A_189 = arith.constant 560 : i32
      %add3A_190 = vector.broadcast %add3A_189 : i32 to vector<16xi32>
      %add3A_191 = arith.addi %iota3A, %add3A_190 : vector<16xi32>
      tpu.vector_store_idx %arg9[%add3A_83, %add3A_191], %broadcast_in_dim3A_3 : memref<8x1024xf32, #tpu.memory_space<vmem>>[vector<16xi32>, vector<16xi32>], vector<16xf32>,
      %add3A_192 = arith.constant 576 : i32
      %add3A_193 = vector.broadcast %add3A_192 : i32 to vector<16xi32>
      %add3A_194 = arith.addi %iota3A, %add3A_193 : vector<16xi32>
      tpu.vector_store_idx %arg9[%add3A_83, %add3A_194], %broadcast_in_dim3A_3 : memref<8x1024xf32, #tpu.memory_space<vmem>>[vector<16xi32>, vector<16xi32>], vector<16xf32>,
      %add3A_195 = arith.constant 592 : i32
      %add3A_196 = vector.broadcast %add3A_195 : i32 to vector<16xi32>
      %add3A_197 = arith.addi %iota3A, %add3A_196 : vector<16xi32>
      tpu.vector_store_idx %arg9[%add3A_83, %add3A_197], %broadcast_in_dim3A_3 : memref<8x1024xf32, #tpu.memory_space<vmem>>[vector<16xi32>, vector<16xi32>], vector<16xf32>,
      %add3A_198 = arith.constant 608 : i32
      %add3A_199 = vector.broadcast %add3A_198 : i32 to vector<16xi32>
      %add3A_200 = arith.addi %iota3A, %add3A_199 : vector<16xi32>
      tpu.vector_store_idx %arg9[%add3A_83, %add3A_200], %broadcast_in_dim3A_3 : memref<8x1024xf32, #tpu.memory_space<vmem>>[vector<16xi32>, vector<16xi32>], vector<16xf32>,
      %add3A_201 = arith.constant 624 : i32
      %add3A_202 = vector.broadcast %add3A_201 : i32 to vector<16xi32>
      %add3A_203 = arith.addi %iota3A, %add3A_202 : vector<16xi32>
      tpu.vector_store_idx %arg9[%add3A_83, %add3A_203], %broadcast_in_dim3A_3 : memref<8x1024xf32, #tpu.memory_space<vmem>>[vector<16xi32>, vector<16xi32>], vector<16xf32>,
      %add3A_204 = arith.constant 640 : i32
      %add3A_205 = vector.broadcast %add3A_204 : i32 to vector<16xi32>
      %add3A_206 = arith.addi %iota3A, %add3A_205 : vector<16xi32>
      tpu.vector_store_idx %arg9[%add3A_83, %add3A_206], %broadcast_in_dim3A_3 : memref<8x1024xf32, #tpu.memory_space<vmem>>[vector<16xi32>, vector<16xi32>], vector<16xf32>,
      %add3A_207 = arith.constant 656 : i32
      %add3A_208 = vector.broadcast %add3A_207 : i32 to vector<16xi32>
      %add3A_209 = arith.addi %iota3A, %add3A_208 : vector<16xi32>
      tpu.vector_store_idx %arg9[%add3A_83, %add3A_209], %broadcast_in_dim3A_3 : memref<8x1024xf32, #tpu.memory_space<vmem>>[vector<16xi32>, vector<16xi32>], vector<16xf32>,
      %add3A_210 = arith.constant 672 : i32
      %add3A_211 = vector.broadcast %add3A_210 : i32 to vector<16xi32>
      %add3A_212 = arith.addi %iota3A, %add3A_211 : vector<16xi32>
      tpu.vector_store_idx %arg9[%add3A_83, %add3A_212], %broadcast_in_dim3A_3 : memref<8x1024xf32, #tpu.memory_space<vmem>>[vector<16xi32>, vector<16xi32>], vector<16xf32>,
      %add3A_213 = arith.constant 688 : i32
      %add3A_214 = vector.broadcast %add3A_213 : i32 to vector<16xi32>
      %add3A_215 = arith.addi %iota3A, %add3A_214 : vector<16xi32>
      tpu.vector_store_idx %arg9[%add3A_83, %add3A_215], %broadcast_in_dim3A_3 : memref<8x1024xf32, #tpu.memory_space<vmem>>[vector<16xi32>, vector<16xi32>], vector<16xf32>,
      %add3A_216 = arith.constant 704 : i32
      %add3A_217 = vector.broadcast %add3A_216 : i32 to vector<16xi32>
      %add3A_218 = arith.addi %iota3A, %add3A_217 : vector<16xi32>
      tpu.vector_store_idx %arg9[%add3A_83, %add3A_218], %broadcast_in_dim3A_3 : memref<8x1024xf32, #tpu.memory_space<vmem>>[vector<16xi32>, vector<16xi32>], vector<16xf32>,
      %add3A_219 = arith.constant 720 : i32
      %add3A_220 = vector.broadcast %add3A_219 : i32 to vector<16xi32>
      %add3A_221 = arith.addi %iota3A, %add3A_220 : vector<16xi32>
      tpu.vector_store_idx %arg9[%add3A_83, %add3A_221], %broadcast_in_dim3A_3 : memref<8x1024xf32, #tpu.memory_space<vmem>>[vector<16xi32>, vector<16xi32>], vector<16xf32>,
      %add3A_222 = arith.constant 736 : i32
      %add3A_223 = vector.broadcast %add3A_222 : i32 to vector<16xi32>
      %add3A_224 = arith.addi %iota3A, %add3A_223 : vector<16xi32>
      tpu.vector_store_idx %arg9[%add3A_83, %add3A_224], %broadcast_in_dim3A_3 : memref<8x1024xf32, #tpu.memory_space<vmem>>[vector<16xi32>, vector<16xi32>], vector<16xf32>,
      %add3A_225 = arith.constant 752 : i32
      %add3A_226 = vector.broadcast %add3A_225 : i32 to vector<16xi32>
      %add3A_227 = arith.addi %iota3A, %add3A_226 : vector<16xi32>
      tpu.vector_store_idx %arg9[%add3A_83, %add3A_227], %broadcast_in_dim3A_3 : memref<8x1024xf32, #tpu.memory_space<vmem>>[vector<16xi32>, vector<16xi32>], vector<16xf32>,
      %add3A_228 = arith.constant 768 : i32
      %add3A_229 = vector.broadcast %add3A_228 : i32 to vector<16xi32>
      %add3A_230 = arith.addi %iota3A, %add3A_229 : vector<16xi32>
      tpu.vector_store_idx %arg9[%add3A_83, %add3A_230], %broadcast_in_dim3A_3 : memref<8x1024xf32, #tpu.memory_space<vmem>>[vector<16xi32>, vector<16xi32>], vector<16xf32>,
      %add3A_231 = arith.constant 784 : i32
      %add3A_232 = vector.broadcast %add3A_231 : i32 to vector<16xi32>
      %add3A_233 = arith.addi %iota3A, %add3A_232 : vector<16xi32>
      tpu.vector_store_idx %arg9[%add3A_83, %add3A_233], %broadcast_in_dim3A_3 : memref<8x1024xf32, #tpu.memory_space<vmem>>[vector<16xi32>, vector<16xi32>], vector<16xf32>,
      %add3A_234 = arith.constant 800 : i32
      %add3A_235 = vector.broadcast %add3A_234 : i32 to vector<16xi32>
      %add3A_236 = arith.addi %iota3A, %add3A_235 : vector<16xi32>
      tpu.vector_store_idx %arg9[%add3A_83, %add3A_236], %broadcast_in_dim3A_3 : memref<8x1024xf32, #tpu.memory_space<vmem>>[vector<16xi32>, vector<16xi32>], vector<16xf32>,
      %add3A_237 = arith.constant 816 : i32
      %add3A_238 = vector.broadcast %add3A_237 : i32 to vector<16xi32>
      %add3A_239 = arith.addi %iota3A, %add3A_238 : vector<16xi32>
      tpu.vector_store_idx %arg9[%add3A_83, %add3A_239], %broadcast_in_dim3A_3 : memref<8x1024xf32, #tpu.memory_space<vmem>>[vector<16xi32>, vector<16xi32>], vector<16xf32>,
      %add3A_240 = arith.constant 832 : i32
      %add3A_241 = vector.broadcast %add3A_240 : i32 to vector<16xi32>
      %add3A_242 = arith.addi %iota3A, %add3A_241 : vector<16xi32>
      tpu.vector_store_idx %arg9[%add3A_83, %add3A_242], %broadcast_in_dim3A_3 : memref<8x1024xf32, #tpu.memory_space<vmem>>[vector<16xi32>, vector<16xi32>], vector<16xf32>,
      %add3A_243 = arith.constant 848 : i32
      %add3A_244 = vector.broadcast %add3A_243 : i32 to vector<16xi32>
      %add3A_245 = arith.addi %iota3A, %add3A_244 : vector<16xi32>
      tpu.vector_store_idx %arg9[%add3A_83, %add3A_245], %broadcast_in_dim3A_3 : memref<8x1024xf32, #tpu.memory_space<vmem>>[vector<16xi32>, vector<16xi32>], vector<16xf32>,
      %add3A_246 = arith.constant 864 : i32
      %add3A_247 = vector.broadcast %add3A_246 : i32 to vector<16xi32>
      %add3A_248 = arith.addi %iota3A, %add3A_247 : vector<16xi32>
      tpu.vector_store_idx %arg9[%add3A_83, %add3A_248], %broadcast_in_dim3A_3 : memref<8x1024xf32, #tpu.memory_space<vmem>>[vector<16xi32>, vector<16xi32>], vector<16xf32>,
      %add3A_249 = arith.constant 880 : i32
      %add3A_250 = vector.broadcast %add3A_249 : i32 to vector<16xi32>
      %add3A_251 = arith.addi %iota3A, %add3A_250 : vector<16xi32>
      tpu.vector_store_idx %arg9[%add3A_83, %add3A_251], %broadcast_in_dim3A_3 : memref<8x1024xf32, #tpu.memory_space<vmem>>[vector<16xi32>, vector<16xi32>], vector<16xf32>,
      %add3A_252 = arith.constant 896 : i32
      %add3A_253 = vector.broadcast %add3A_252 : i32 to vector<16xi32>
      %add3A_254 = arith.addi %iota3A, %add3A_253 : vector<16xi32>
      tpu.vector_store_idx %arg9[%add3A_83, %add3A_254], %broadcast_in_dim3A_3 : memref<8x1024xf32, #tpu.memory_space<vmem>>[vector<16xi32>, vector<16xi32>], vector<16xf32>,
      %add3A_255 = arith.constant 912 : i32
      %add3A_256 = vector.broadcast %add3A_255 : i32 to vector<16xi32>
      %add3A_257 = arith.addi %iota3A, %add3A_256 : vector<16xi32>
      tpu.vector_store_idx %arg9[%add3A_83, %add3A_257], %broadcast_in_dim3A_3 : memref<8x1024xf32, #tpu.memory_space<vmem>>[vector<16xi32>, vector<16xi32>], vector<16xf32>,
      %add3A_258 = arith.constant 928 : i32
      %add3A_259 = vector.broadcast %add3A_258 : i32 to vector<16xi32>
      %add3A_260 = arith.addi %iota3A, %add3A_259 : vector<16xi32>
      tpu.vector_store_idx %arg9[%add3A_83, %add3A_260], %broadcast_in_dim3A_3 : memref<8x1024xf32, #tpu.memory_space<vmem>>[vector<16xi32>, vector<16xi32>], vector<16xf32>,
      %add3A_261 = arith.constant 944 : i32
      %add3A_262 = vector.broadcast %add3A_261 : i32 to vector<16xi32>
      %add3A_263 = arith.addi %iota3A, %add3A_262 : vector<16xi32>
      tpu.vector_store_idx %arg9[%add3A_83, %add3A_263], %broadcast_in_dim3A_3 : memref<8x1024xf32, #tpu.memory_space<vmem>>[vector<16xi32>, vector<16xi32>], vector<16xf32>,
      %add3A_264 = arith.constant 960 : i32
      %add3A_265 = vector.broadcast %add3A_264 : i32 to vector<16xi32>
      %add3A_266 = arith.addi %iota3A, %add3A_265 : vector<16xi32>
      tpu.vector_store_idx %arg9[%add3A_83, %add3A_266], %broadcast_in_dim3A_3 : memref<8x1024xf32, #tpu.memory_space<vmem>>[vector<16xi32>, vector<16xi32>], vector<16xf32>,
      %add3A_267 = arith.constant 976 : i32
      %add3A_268 = vector.broadcast %add3A_267 : i32 to vector<16xi32>
      %add3A_269 = arith.addi %iota3A, %add3A_268 : vector<16xi32>
      tpu.vector_store_idx %arg9[%add3A_83, %add3A_269], %broadcast_in_dim3A_3 : memref<8x1024xf32, #tpu.memory_space<vmem>>[vector<16xi32>, vector<16xi32>], vector<16xf32>,
      %add3A_270 = arith.constant 992 : i32
      %add3A_271 = vector.broadcast %add3A_270 : i32 to vector<16xi32>
      %add3A_272 = arith.addi %iota3A, %add3A_271 : vector<16xi32>
      tpu.vector_store_idx %arg9[%add3A_83, %add3A_272], %broadcast_in_dim3A_3 : memref<8x1024xf32, #tpu.memory_space<vmem>>[vector<16xi32>, vector<16xi32>], vector<16xf32>,
      %add3A_273 = arith.constant 1008 : i32
      %add3A_274 = vector.broadcast %add3A_273 : i32 to vector<16xi32>
      %add3A_275 = arith.addi %iota3A, %add3A_274 : vector<16xi32>
      tpu.vector_store_idx %arg9[%add3A_83, %add3A_275], %broadcast_in_dim3A_3 : memref<8x1024xf32, #tpu.memory_space<vmem>>[vector<16xi32>, vector<16xi32>], vector<16xf32>,
    }
    %scan3A_32 = arith.constant 8 : i32
    %scan3A_33 = arith.constant 0 : i32
    %scan3A_34 = arith.constant 0 : i32
    %scan3A_35 = arith.constant 8 : i32
    %scan3A_36 = arith.addi %scan3A_34, %scan3A_35 : i32
    %scan3A_37 = arith.constant 1 : i32
    scf.for %scan3A_79 = %scan3A_34 to %scan3A_36 step %scan3A_37  : i32 {
      %broadcast_in_dim3A_80 = arith.constant 0.000000e+00 : f32
      %broadcast_in_dim3A_81 = vector.broadcast %broadcast_in_dim3A_80 : f32 to vector<16xf32>
      %broadcast_in_dim3A_82 = arith.constant 1.000000e+00 : f32
      %broadcast_in_dim3A_83 = vector.broadcast %broadcast_in_dim3A_82 : f32 to vector<16xf32>
      %broadcast_in_dim3A_84 = arith.constant 1.000000e+00 : f32
      %broadcast_in_dim3A_85 = vector.broadcast %broadcast_in_dim3A_84 : f32 to vector<16xf32>
      %iota3A = tpu.iota {dimensions = array<i32: 0>} : vector<16xi32>
      %broadcast_in_dim3A_86 = arith.constant 0 : i32
      %broadcast_in_dim3A_87 = vector.broadcast %broadcast_in_dim3A_86 : i32 to vector<16xi32>
      %add3A_88 = vector.broadcast %scan3A_79 : i32 to vector<16xi32>
      %add3A_89 = arith.addi %broadcast_in_dim3A_87, %add3A_88 : vector<16xi32>
      %lt3A = arith.constant 3 : i32
      %lt3A_90 = vector.broadcast %lt3A : i32 to vector<16xi32>
      %lt3A_91 = arith.cmpi slt, %iota3A, %lt3A_90 : vector<16xi32>
      %add3A_92 = arith.constant 1 : i32
      %add3A_93 = vector.broadcast %add3A_92 : i32 to vector<16xi32>
      %add3A_94 = arith.addi %iota3A, %add3A_93 : vector<16xi32>
      %gather3A = tpu.vector_load_idx %arg5[%add3A_89, %add3A_94] : memref<8x128xi32, #tpu.memory_space<vmem>>[vector<16xi32>, vector<16xi32>], vector<16xi32>,
      %add3A_95 = arith.constant 17 : i32
      %add3A_96 = vector.broadcast %add3A_95 : i32 to vector<16xi32>
      %add3A_97 = arith.addi %iota3A, %add3A_96 : vector<16xi32>
      %gather3A_98 = tpu.vector_load_idx %arg5[%add3A_89, %add3A_97] : memref<8x128xi32, #tpu.memory_space<vmem>>[vector<16xi32>, vector<16xi32>], vector<16xi32>,
      %add3A_99 = arith.constant 33 : i32
      %add3A_100 = vector.broadcast %add3A_99 : i32 to vector<16xi32>
      %add3A_101 = arith.addi %iota3A, %add3A_100 : vector<16xi32>
      %gather3A_102 = tpu.vector_load_idx %arg5[%add3A_89, %add3A_101] : memref<8x128xi32, #tpu.memory_space<vmem>>[vector<16xi32>, vector<16xi32>], vector<16xi32>,
      %add3A_103 = arith.constant 49 : i32
      %add3A_104 = vector.broadcast %add3A_103 : i32 to vector<16xi32>
      %add3A_105 = arith.addi %iota3A, %add3A_104 : vector<16xi32>
      %gather3A_106 = tpu.vector_load_idx %arg5[%add3A_89, %add3A_105] : memref<8x128xi32, #tpu.memory_space<vmem>>[vector<16xi32>, vector<16xi32>], vector<16xi32>,
      %add3A_107 = arith.constant 65 : i32
      %add3A_108 = vector.broadcast %add3A_107 : i32 to vector<16xi32>
      %add3A_109 = arith.addi %iota3A, %add3A_108 : vector<16xi32>
      %gather3A_110 = tpu.vector_load_idx %arg5[%add3A_89, %add3A_109] : memref<8x128xi32, #tpu.memory_space<vmem>>[vector<16xi32>, vector<16xi32>], vector<16xi32>,
      %add3A_111 = arith.constant 81 : i32
      %add3A_112 = vector.broadcast %add3A_111 : i32 to vector<16xi32>
      %add3A_113 = arith.addi %iota3A, %add3A_112 : vector<16xi32>
      %gather3A_114 = tpu.vector_load_idx %arg5[%add3A_89, %add3A_113] : memref<8x128xi32, #tpu.memory_space<vmem>>[vector<16xi32>, vector<16xi32>], vector<16xi32>,
      %add3A_115 = arith.constant 97 : i32
      %add3A_116 = vector.broadcast %add3A_115 : i32 to vector<16xi32>
      %add3A_117 = arith.addi %iota3A, %add3A_116 : vector<16xi32>
      %gather3A_118 = tpu.vector_load_idx %arg5[%add3A_89, %add3A_117] : memref<8x128xi32, #tpu.memory_space<vmem>>[vector<16xi32>, vector<16xi32>], vector<16xi32>,
      tpu.vector_store_idx %arg11[%gather3A], %broadcast_in_dim3A_81 : memref<1024xf32, #tpu.memory_space<vmem>>[vector<16xi32>], vector<16xf32>,
      tpu.vector_store_idx %arg12[%gather3A], %broadcast_in_dim3A_81 : memref<1024xf32, #tpu.memory_space<vmem>>[vector<16xi32>], vector<16xf32>,
      tpu.vector_store_idx %arg11[%gather3A_98], %broadcast_in_dim3A_81 : memref<1024xf32, #tpu.memory_space<vmem>>[vector<16xi32>], vector<16xf32>,
      tpu.vector_store_idx %arg12[%gather3A_98], %broadcast_in_dim3A_81 : memref<1024xf32, #tpu.memory_space<vmem>>[vector<16xi32>], vector<16xf32>,
      tpu.vector_store_idx %arg11[%gather3A_102], %broadcast_in_dim3A_81 : memref<1024xf32, #tpu.memory_space<vmem>>[vector<16xi32>], vector<16xf32>,
      tpu.vector_store_idx %arg12[%gather3A_102], %broadcast_in_dim3A_81 : memref<1024xf32, #tpu.memory_space<vmem>>[vector<16xi32>], vector<16xf32>,
      tpu.vector_store_idx %arg11[%gather3A_106], %broadcast_in_dim3A_81 : memref<1024xf32, #tpu.memory_space<vmem>>[vector<16xi32>], vector<16xf32>,
      tpu.vector_store_idx %arg12[%gather3A_106], %broadcast_in_dim3A_81 : memref<1024xf32, #tpu.memory_space<vmem>>[vector<16xi32>], vector<16xf32>,
      tpu.vector_store_idx %arg11[%gather3A_110], %broadcast_in_dim3A_81 : memref<1024xf32, #tpu.memory_space<vmem>>[vector<16xi32>], vector<16xf32>,
      tpu.vector_store_idx %arg12[%gather3A_110], %broadcast_in_dim3A_81 : memref<1024xf32, #tpu.memory_space<vmem>>[vector<16xi32>], vector<16xf32>,
      tpu.vector_store_idx %arg11[%gather3A_114], %broadcast_in_dim3A_81 : memref<1024xf32, #tpu.memory_space<vmem>>[vector<16xi32>], vector<16xf32>,
      tpu.vector_store_idx %arg12[%gather3A_114], %broadcast_in_dim3A_81 : memref<1024xf32, #tpu.memory_space<vmem>>[vector<16xi32>], vector<16xf32>,
      tpu.vector_store_idx %arg11[%gather3A_118], %broadcast_in_dim3A_81 masked %lt3A_91 : memref<1024xf32, #tpu.memory_space<vmem>>[vector<16xi32>], vector<16xf32>, vector<16xi1>
      tpu.vector_store_idx %arg12[%gather3A_118], %broadcast_in_dim3A_81 masked %lt3A_91 : memref<1024xf32, #tpu.memory_space<vmem>>[vector<16xi32>], vector<16xf32>, vector<16xi1>
      %add3A_119 = arith.constant 0 : i32
      %add3A_120 = vector.broadcast %add3A_119 : i32 to vector<16xi32>
      %add3A_121 = arith.addi %iota3A, %add3A_120 : vector<16xi32>
      %gather3A_122 = tpu.vector_load_idx %arg5[%add3A_89, %add3A_121] : memref<8x128xi32, #tpu.memory_space<vmem>>[vector<16xi32>, vector<16xi32>], vector<16xi32>,
      %gather3A_123 = tpu.vector_load_idx %arg7[%add3A_89, %gather3A_122] : memref<8x1024xf32, #tpu.memory_space<vmem>>[vector<16xi32>, vector<16xi32>], vector<16xf32>,
      tpu.vector_store_idx %arg11[%gather3A], %gather3A_123 {add = true} : memref<1024xf32, #tpu.memory_space<vmem>>[vector<16xi32>], vector<16xf32>,
      tpu.vector_store_idx %arg12[%gather3A], %broadcast_in_dim3A_83 {add = true} : memref<1024xf32, #tpu.memory_space<vmem>>[vector<16xi32>], vector<16xf32>,
      %add3A_124 = arith.constant 16 : i32
      %add3A_125 = vector.broadcast %add3A_124 : i32 to vector<16xi32>
      %add3A_126 = arith.addi %iota3A, %add3A_125 : vector<16xi32>
      %gather3A_127 = tpu.vector_load_idx %arg5[%add3A_89, %add3A_126] : memref<8x128xi32, #tpu.memory_space<vmem>>[vector<16xi32>, vector<16xi32>], vector<16xi32>,
      %gather3A_128 = tpu.vector_load_idx %arg7[%add3A_89, %gather3A_127] : memref<8x1024xf32, #tpu.memory_space<vmem>>[vector<16xi32>, vector<16xi32>], vector<16xf32>,
      tpu.vector_store_idx %arg11[%gather3A_98], %gather3A_128 {add = true} : memref<1024xf32, #tpu.memory_space<vmem>>[vector<16xi32>], vector<16xf32>,
      tpu.vector_store_idx %arg12[%gather3A_98], %broadcast_in_dim3A_83 {add = true} : memref<1024xf32, #tpu.memory_space<vmem>>[vector<16xi32>], vector<16xf32>,
      %add3A_129 = arith.constant 32 : i32
      %add3A_130 = vector.broadcast %add3A_129 : i32 to vector<16xi32>
      %add3A_131 = arith.addi %iota3A, %add3A_130 : vector<16xi32>
      %gather3A_132 = tpu.vector_load_idx %arg5[%add3A_89, %add3A_131] : memref<8x128xi32, #tpu.memory_space<vmem>>[vector<16xi32>, vector<16xi32>], vector<16xi32>,
      %gather3A_133 = tpu.vector_load_idx %arg7[%add3A_89, %gather3A_132] : memref<8x1024xf32, #tpu.memory_space<vmem>>[vector<16xi32>, vector<16xi32>], vector<16xf32>,
      tpu.vector_store_idx %arg11[%gather3A_102], %gather3A_133 {add = true} : memref<1024xf32, #tpu.memory_space<vmem>>[vector<16xi32>], vector<16xf32>,
      tpu.vector_store_idx %arg12[%gather3A_102], %broadcast_in_dim3A_83 {add = true} : memref<1024xf32, #tpu.memory_space<vmem>>[vector<16xi32>], vector<16xf32>,
      %add3A_134 = arith.constant 48 : i32
      %add3A_135 = vector.broadcast %add3A_134 : i32 to vector<16xi32>
      %add3A_136 = arith.addi %iota3A, %add3A_135 : vector<16xi32>
      %gather3A_137 = tpu.vector_load_idx %arg5[%add3A_89, %add3A_136] : memref<8x128xi32, #tpu.memory_space<vmem>>[vector<16xi32>, vector<16xi32>], vector<16xi32>,
      %gather3A_138 = tpu.vector_load_idx %arg7[%add3A_89, %gather3A_137] : memref<8x1024xf32, #tpu.memory_space<vmem>>[vector<16xi32>, vector<16xi32>], vector<16xf32>,
      tpu.vector_store_idx %arg11[%gather3A_106], %gather3A_138 {add = true} : memref<1024xf32, #tpu.memory_space<vmem>>[vector<16xi32>], vector<16xf32>,
      tpu.vector_store_idx %arg12[%gather3A_106], %broadcast_in_dim3A_83 {add = true} : memref<1024xf32, #tpu.memory_space<vmem>>[vector<16xi32>], vector<16xf32>,
      %add3A_139 = arith.constant 64 : i32
      %add3A_140 = vector.broadcast %add3A_139 : i32 to vector<16xi32>
      %add3A_141 = arith.addi %iota3A, %add3A_140 : vector<16xi32>
      %gather3A_142 = tpu.vector_load_idx %arg5[%add3A_89, %add3A_141] : memref<8x128xi32, #tpu.memory_space<vmem>>[vector<16xi32>, vector<16xi32>], vector<16xi32>,
      %gather3A_143 = tpu.vector_load_idx %arg7[%add3A_89, %gather3A_142] : memref<8x1024xf32, #tpu.memory_space<vmem>>[vector<16xi32>, vector<16xi32>], vector<16xf32>,
      tpu.vector_store_idx %arg11[%gather3A_110], %gather3A_143 {add = true} : memref<1024xf32, #tpu.memory_space<vmem>>[vector<16xi32>], vector<16xf32>,
      tpu.vector_store_idx %arg12[%gather3A_110], %broadcast_in_dim3A_83 {add = true} : memref<1024xf32, #tpu.memory_space<vmem>>[vector<16xi32>], vector<16xf32>,
      %add3A_144 = arith.constant 80 : i32
      %add3A_145 = vector.broadcast %add3A_144 : i32 to vector<16xi32>
      %add3A_146 = arith.addi %iota3A, %add3A_145 : vector<16xi32>
      %gather3A_147 = tpu.vector_load_idx %arg5[%add3A_89, %add3A_146] : memref<8x128xi32, #tpu.memory_space<vmem>>[vector<16xi32>, vector<16xi32>], vector<16xi32>,
      %gather3A_148 = tpu.vector_load_idx %arg7[%add3A_89, %gather3A_147] : memref<8x1024xf32, #tpu.memory_space<vmem>>[vector<16xi32>, vector<16xi32>], vector<16xf32>,
      tpu.vector_store_idx %arg11[%gather3A_114], %gather3A_148 {add = true} : memref<1024xf32, #tpu.memory_space<vmem>>[vector<16xi32>], vector<16xf32>,
      tpu.vector_store_idx %arg12[%gather3A_114], %broadcast_in_dim3A_83 {add = true} : memref<1024xf32, #tpu.memory_space<vmem>>[vector<16xi32>], vector<16xf32>,
      %add3A_149 = arith.constant 96 : i32
      %add3A_150 = vector.broadcast %add3A_149 : i32 to vector<16xi32>
      %add3A_151 = arith.addi %iota3A, %add3A_150 : vector<16xi32>
      %gather3A_152 = tpu.vector_load_idx %arg5[%add3A_89, %add3A_151] : memref<8x128xi32, #tpu.memory_space<vmem>>[vector<16xi32>, vector<16xi32>], vector<16xi32>,
      %gather3A_153 = tpu.vector_load_idx %arg7[%add3A_89, %gather3A_152] : memref<8x1024xf32, #tpu.memory_space<vmem>>[vector<16xi32>, vector<16xi32>], vector<16xf32>,
      tpu.vector_store_idx %arg11[%gather3A_118], %gather3A_153 masked %lt3A_91 {add = true} : memref<1024xf32, #tpu.memory_space<vmem>>[vector<16xi32>], vector<16xf32>, vector<16xi1>
      tpu.vector_store_idx %arg12[%gather3A_118], %broadcast_in_dim3A_83 masked %lt3A_91 {add = true} : memref<1024xf32, #tpu.memory_space<vmem>>[vector<16xi32>], vector<16xf32>, vector<16xi1>
      %gather3A_154 = tpu.vector_load_idx %arg11[%gather3A] : memref<1024xf32, #tpu.memory_space<vmem>>[vector<16xi32>], vector<16xf32>,
      %gather3A_155 = tpu.vector_load_idx %arg12[%gather3A] : memref<1024xf32, #tpu.memory_space<vmem>>[vector<16xi32>], vector<16xf32>,
      %max3A = arith.maximumf %gather3A_155, %broadcast_in_dim3A_85 : vector<16xf32>
      %div3A = arith.divf %gather3A_154, %max3A : vector<16xf32>
      tpu.vector_store_idx %arg9[%add3A_89, %gather3A], %div3A : memref<8x1024xf32, #tpu.memory_space<vmem>>[vector<16xi32>, vector<16xi32>], vector<16xf32>,
      %gather3A_156 = tpu.vector_load_idx %arg11[%gather3A_98] : memref<1024xf32, #tpu.memory_space<vmem>>[vector<16xi32>], vector<16xf32>,
      %gather3A_157 = tpu.vector_load_idx %arg12[%gather3A_98] : memref<1024xf32, #tpu.memory_space<vmem>>[vector<16xi32>], vector<16xf32>,
      %max3A_158 = arith.maximumf %gather3A_157, %broadcast_in_dim3A_85 : vector<16xf32>
      %div3A_159 = arith.divf %gather3A_156, %max3A_158 : vector<16xf32>
      tpu.vector_store_idx %arg9[%add3A_89, %gather3A_98], %div3A_159 : memref<8x1024xf32, #tpu.memory_space<vmem>>[vector<16xi32>, vector<16xi32>], vector<16xf32>,
      %gather3A_160 = tpu.vector_load_idx %arg11[%gather3A_102] : memref<1024xf32, #tpu.memory_space<vmem>>[vector<16xi32>], vector<16xf32>,
      %gather3A_161 = tpu.vector_load_idx %arg12[%gather3A_102] : memref<1024xf32, #tpu.memory_space<vmem>>[vector<16xi32>], vector<16xf32>,
      %max3A_162 = arith.maximumf %gather3A_161, %broadcast_in_dim3A_85 : vector<16xf32>
      %div3A_163 = arith.divf %gather3A_160, %max3A_162 : vector<16xf32>
      tpu.vector_store_idx %arg9[%add3A_89, %gather3A_102], %div3A_163 : memref<8x1024xf32, #tpu.memory_space<vmem>>[vector<16xi32>, vector<16xi32>], vector<16xf32>,
      %gather3A_164 = tpu.vector_load_idx %arg11[%gather3A_106] : memref<1024xf32, #tpu.memory_space<vmem>>[vector<16xi32>], vector<16xf32>,
      %gather3A_165 = tpu.vector_load_idx %arg12[%gather3A_106] : memref<1024xf32, #tpu.memory_space<vmem>>[vector<16xi32>], vector<16xf32>,
      %max3A_166 = arith.maximumf %gather3A_165, %broadcast_in_dim3A_85 : vector<16xf32>
      %div3A_167 = arith.divf %gather3A_164, %max3A_166 : vector<16xf32>
      tpu.vector_store_idx %arg9[%add3A_89, %gather3A_106], %div3A_167 : memref<8x1024xf32, #tpu.memory_space<vmem>>[vector<16xi32>, vector<16xi32>], vector<16xf32>,
      %gather3A_168 = tpu.vector_load_idx %arg11[%gather3A_110] : memref<1024xf32, #tpu.memory_space<vmem>>[vector<16xi32>], vector<16xf32>,
      %gather3A_169 = tpu.vector_load_idx %arg12[%gather3A_110] : memref<1024xf32, #tpu.memory_space<vmem>>[vector<16xi32>], vector<16xf32>,
      %max3A_170 = arith.maximumf %gather3A_169, %broadcast_in_dim3A_85 : vector<16xf32>
      %div3A_171 = arith.divf %gather3A_168, %max3A_170 : vector<16xf32>
      tpu.vector_store_idx %arg9[%add3A_89, %gather3A_110], %div3A_171 : memref<8x1024xf32, #tpu.memory_space<vmem>>[vector<16xi32>, vector<16xi32>], vector<16xf32>,
      %gather3A_172 = tpu.vector_load_idx %arg11[%gather3A_114] : memref<1024xf32, #tpu.memory_space<vmem>>[vector<16xi32>], vector<16xf32>,
      %gather3A_173 = tpu.vector_load_idx %arg12[%gather3A_114] : memref<1024xf32, #tpu.memory_space<vmem>>[vector<16xi32>], vector<16xf32>,
      %max3A_174 = arith.maximumf %gather3A_173, %broadcast_in_dim3A_85 : vector<16xf32>
      %div3A_175 = arith.divf %gather3A_172, %max3A_174 : vector<16xf32>
      tpu.vector_store_idx %arg9[%add3A_89, %gather3A_114], %div3A_175 : memref<8x1024xf32, #tpu.memory_space<vmem>>[vector<16xi32>, vector<16xi32>], vector<16xf32>,
      %gather3A_176 = tpu.vector_load_idx %arg11[%gather3A_118] : memref<1024xf32, #tpu.memory_space<vmem>>[vector<16xi32>], vector<16xf32>,
      %gather3A_177 = tpu.vector_load_idx %arg12[%gather3A_118] : memref<1024xf32, #tpu.memory_space<vmem>>[vector<16xi32>], vector<16xf32>,
      %max3A_178 = arith.maximumf %gather3A_177, %broadcast_in_dim3A_85 : vector<16xf32>
      %div3A_179 = arith.divf %gather3A_176, %max3A_178 : vector<16xf32>
      tpu.vector_store_idx %arg9[%add3A_89, %gather3A_118], %div3A_179 masked %lt3A_91 : memref<8x1024xf32, #tpu.memory_space<vmem>>[vector<16xi32>, vector<16xi32>], vector<16xf32>, vector<16xi1>
    }
    %scan3A_38 = arith.constant 8 : i32
    %dma_start3A_39 = arith.constant 0 : i32
    %dma_start3A_40 = tpu.memref_slice %arg4[%mul3A_2, %dma_start3A_39] : memref<512x1024xf32, #tpu.memory_space<hbm>> -> memref<8x1024xf32, #tpu.memory_space<hbm>>
    %dma_start3A_41 = arith.constant 0 : i32
    %dma_start3A_42 = tpu.memref_slice %arg4[%mul3A_2, %dma_start3A_41] : memref<512x1024xf32, #tpu.memory_space<hbm>> -> memref<8x1024xf32, #tpu.memory_space<hbm>>
    tpu.enqueue_dma source(%arg9 : memref<8x1024xf32, #tpu.memory_space<vmem>>) target(%dma_start3A_42 : memref<8x1024xf32, #tpu.memory_space<hbm>>) target_semaphore(%arg15 : memref<!tpu.dma_semaphore, #tpu.memory_space<semaphore_mem>>)
    %add3A_43 = arith.constant 8 : i32
    %add3A_44 = arith.addi %mul3A_2, %add3A_43 : i32
    %dma_wait3A_45 = arith.constant 0 : i32
    %dma_wait3A_46 = tpu.memref_slice %arg2[%add3A_44, %dma_wait3A_45] : memref<512x128xi32, #tpu.memory_space<hbm>> -> memref<8x128xi32, #tpu.memory_space<hbm>>
    %dma_wait3A_47 = arith.constant 0 : i32
    %dma_wait3A_48 = tpu.memref_slice %arg2[%add3A_44, %dma_wait3A_47] : memref<512x128xi32, #tpu.memory_space<hbm>> -> memref<8x128xi32, #tpu.memory_space<hbm>>
    tpu.wait_dma2 semaphore(%arg14 : memref<!tpu.dma_semaphore, #tpu.memory_space<semaphore_mem>>) src(%dma_wait3A_48 : memref<8x128xi32, #tpu.memory_space<hbm>>) dst(%arg6 : memref<8x128xi32, #tpu.memory_space<vmem>>)
    %dma_wait3A_49 = arith.constant 0 : i32
    %dma_wait3A_50 = tpu.memref_slice %arg3[%add3A_44, %dma_wait3A_49] : memref<512x1024xf32, #tpu.memory_space<hbm>> -> memref<8x1024xf32, #tpu.memory_space<hbm>>
    %dma_wait3A_51 = arith.constant 0 : i32
    %dma_wait3A_52 = tpu.memref_slice %arg3[%add3A_44, %dma_wait3A_51] : memref<512x1024xf32, #tpu.memory_space<hbm>> -> memref<8x1024xf32, #tpu.memory_space<hbm>>
    tpu.wait_dma2 semaphore(%arg14 : memref<!tpu.dma_semaphore, #tpu.memory_space<semaphore_mem>>) src(%dma_wait3A_52 : memref<8x1024xf32, #tpu.memory_space<hbm>>) dst(%arg8 : memref<8x1024xf32, #tpu.memory_space<vmem>>)
    %add3A_53 = arith.constant 8 : i32
    %add3A_54 = arith.addi %mul3A_2, %add3A_53 : i32
    %scan3A_55 = arith.constant 0 : i32
    %scan3A_56 = arith.constant 0 : i32
    %scan3A_57 = arith.constant 8 : i32
    %scan3A_58 = arith.addi %scan3A_56, %scan3A_57 : i32
    %scan3A_59 = arith.constant 1 : i32
    scf.for %scan3A_79 = %scan3A_56 to %scan3A_58 step %scan3A_59  : i32 {
      %broadcast_in_dim3A_80 = arith.constant 0 : i32
      %broadcast_in_dim3A_81 = vector.broadcast %broadcast_in_dim3A_80 : i32 to vector<16xi32>
      %add3A_82 = vector.broadcast %scan3A_79 : i32 to vector<16xi32>
      %add3A_83 = arith.addi %broadcast_in_dim3A_81, %add3A_82 : vector<16xi32>
      %iota3A = tpu.iota {dimensions = array<i32: 0>} : vector<16xi32>
      %add3A_84 = arith.constant 0 : i32
      %add3A_85 = vector.broadcast %add3A_84 : i32 to vector<16xi32>
      %add3A_86 = arith.addi %iota3A, %add3A_85 : vector<16xi32>
      tpu.vector_store_idx %arg10[%add3A_83, %add3A_86], %broadcast_in_dim3A_3 : memref<8x1024xf32, #tpu.memory_space<vmem>>[vector<16xi32>, vector<16xi32>], vector<16xf32>,
      %add3A_87 = arith.constant 16 : i32
      %add3A_88 = vector.broadcast %add3A_87 : i32 to vector<16xi32>
      %add3A_89 = arith.addi %iota3A, %add3A_88 : vector<16xi32>
      tpu.vector_store_idx %arg10[%add3A_83, %add3A_89], %broadcast_in_dim3A_3 : memref<8x1024xf32, #tpu.memory_space<vmem>>[vector<16xi32>, vector<16xi32>], vector<16xf32>,
      %add3A_90 = arith.constant 32 : i32
      %add3A_91 = vector.broadcast %add3A_90 : i32 to vector<16xi32>
      %add3A_92 = arith.addi %iota3A, %add3A_91 : vector<16xi32>
      tpu.vector_store_idx %arg10[%add3A_83, %add3A_92], %broadcast_in_dim3A_3 : memref<8x1024xf32, #tpu.memory_space<vmem>>[vector<16xi32>, vector<16xi32>], vector<16xf32>,
      %add3A_93 = arith.constant 48 : i32
      %add3A_94 = vector.broadcast %add3A_93 : i32 to vector<16xi32>
      %add3A_95 = arith.addi %iota3A, %add3A_94 : vector<16xi32>
      tpu.vector_store_idx %arg10[%add3A_83, %add3A_95], %broadcast_in_dim3A_3 : memref<8x1024xf32, #tpu.memory_space<vmem>>[vector<16xi32>, vector<16xi32>], vector<16xf32>,
      %add3A_96 = arith.constant 64 : i32
      %add3A_97 = vector.broadcast %add3A_96 : i32 to vector<16xi32>
      %add3A_98 = arith.addi %iota3A, %add3A_97 : vector<16xi32>
      tpu.vector_store_idx %arg10[%add3A_83, %add3A_98], %broadcast_in_dim3A_3 : memref<8x1024xf32, #tpu.memory_space<vmem>>[vector<16xi32>, vector<16xi32>], vector<16xf32>,
      %add3A_99 = arith.constant 80 : i32
      %add3A_100 = vector.broadcast %add3A_99 : i32 to vector<16xi32>
      %add3A_101 = arith.addi %iota3A, %add3A_100 : vector<16xi32>
      tpu.vector_store_idx %arg10[%add3A_83, %add3A_101], %broadcast_in_dim3A_3 : memref<8x1024xf32, #tpu.memory_space<vmem>>[vector<16xi32>, vector<16xi32>], vector<16xf32>,
      %add3A_102 = arith.constant 96 : i32
      %add3A_103 = vector.broadcast %add3A_102 : i32 to vector<16xi32>
      %add3A_104 = arith.addi %iota3A, %add3A_103 : vector<16xi32>
      tpu.vector_store_idx %arg10[%add3A_83, %add3A_104], %broadcast_in_dim3A_3 : memref<8x1024xf32, #tpu.memory_space<vmem>>[vector<16xi32>, vector<16xi32>], vector<16xf32>,
      %add3A_105 = arith.constant 112 : i32
      %add3A_106 = vector.broadcast %add3A_105 : i32 to vector<16xi32>
      %add3A_107 = arith.addi %iota3A, %add3A_106 : vector<16xi32>
      tpu.vector_store_idx %arg10[%add3A_83, %add3A_107], %broadcast_in_dim3A_3 : memref<8x1024xf32, #tpu.memory_space<vmem>>[vector<16xi32>, vector<16xi32>], vector<16xf32>,
      %add3A_108 = arith.constant 128 : i32
      %add3A_109 = vector.broadcast %add3A_108 : i32 to vector<16xi32>
      %add3A_110 = arith.addi %iota3A, %add3A_109 : vector<16xi32>
      tpu.vector_store_idx %arg10[%add3A_83, %add3A_110], %broadcast_in_dim3A_3 : memref<8x1024xf32, #tpu.memory_space<vmem>>[vector<16xi32>, vector<16xi32>], vector<16xf32>,
      %add3A_111 = arith.constant 144 : i32
      %add3A_112 = vector.broadcast %add3A_111 : i32 to vector<16xi32>
      %add3A_113 = arith.addi %iota3A, %add3A_112 : vector<16xi32>
      tpu.vector_store_idx %arg10[%add3A_83, %add3A_113], %broadcast_in_dim3A_3 : memref<8x1024xf32, #tpu.memory_space<vmem>>[vector<16xi32>, vector<16xi32>], vector<16xf32>,
      %add3A_114 = arith.constant 160 : i32
      %add3A_115 = vector.broadcast %add3A_114 : i32 to vector<16xi32>
      %add3A_116 = arith.addi %iota3A, %add3A_115 : vector<16xi32>
      tpu.vector_store_idx %arg10[%add3A_83, %add3A_116], %broadcast_in_dim3A_3 : memref<8x1024xf32, #tpu.memory_space<vmem>>[vector<16xi32>, vector<16xi32>], vector<16xf32>,
      %add3A_117 = arith.constant 176 : i32
      %add3A_118 = vector.broadcast %add3A_117 : i32 to vector<16xi32>
      %add3A_119 = arith.addi %iota3A, %add3A_118 : vector<16xi32>
      tpu.vector_store_idx %arg10[%add3A_83, %add3A_119], %broadcast_in_dim3A_3 : memref<8x1024xf32, #tpu.memory_space<vmem>>[vector<16xi32>, vector<16xi32>], vector<16xf32>,
      %add3A_120 = arith.constant 192 : i32
      %add3A_121 = vector.broadcast %add3A_120 : i32 to vector<16xi32>
      %add3A_122 = arith.addi %iota3A, %add3A_121 : vector<16xi32>
      tpu.vector_store_idx %arg10[%add3A_83, %add3A_122], %broadcast_in_dim3A_3 : memref<8x1024xf32, #tpu.memory_space<vmem>>[vector<16xi32>, vector<16xi32>], vector<16xf32>,
      %add3A_123 = arith.constant 208 : i32
      %add3A_124 = vector.broadcast %add3A_123 : i32 to vector<16xi32>
      %add3A_125 = arith.addi %iota3A, %add3A_124 : vector<16xi32>
      tpu.vector_store_idx %arg10[%add3A_83, %add3A_125], %broadcast_in_dim3A_3 : memref<8x1024xf32, #tpu.memory_space<vmem>>[vector<16xi32>, vector<16xi32>], vector<16xf32>,
      %add3A_126 = arith.constant 224 : i32
      %add3A_127 = vector.broadcast %add3A_126 : i32 to vector<16xi32>
      %add3A_128 = arith.addi %iota3A, %add3A_127 : vector<16xi32>
      tpu.vector_store_idx %arg10[%add3A_83, %add3A_128], %broadcast_in_dim3A_3 : memref<8x1024xf32, #tpu.memory_space<vmem>>[vector<16xi32>, vector<16xi32>], vector<16xf32>,
      %add3A_129 = arith.constant 240 : i32
      %add3A_130 = vector.broadcast %add3A_129 : i32 to vector<16xi32>
      %add3A_131 = arith.addi %iota3A, %add3A_130 : vector<16xi32>
      tpu.vector_store_idx %arg10[%add3A_83, %add3A_131], %broadcast_in_dim3A_3 : memref<8x1024xf32, #tpu.memory_space<vmem>>[vector<16xi32>, vector<16xi32>], vector<16xf32>,
      %add3A_132 = arith.constant 256 : i32
      %add3A_133 = vector.broadcast %add3A_132 : i32 to vector<16xi32>
      %add3A_134 = arith.addi %iota3A, %add3A_133 : vector<16xi32>
      tpu.vector_store_idx %arg10[%add3A_83, %add3A_134], %broadcast_in_dim3A_3 : memref<8x1024xf32, #tpu.memory_space<vmem>>[vector<16xi32>, vector<16xi32>], vector<16xf32>,
      %add3A_135 = arith.constant 272 : i32
      %add3A_136 = vector.broadcast %add3A_135 : i32 to vector<16xi32>
      %add3A_137 = arith.addi %iota3A, %add3A_136 : vector<16xi32>
      tpu.vector_store_idx %arg10[%add3A_83, %add3A_137], %broadcast_in_dim3A_3 : memref<8x1024xf32, #tpu.memory_space<vmem>>[vector<16xi32>, vector<16xi32>], vector<16xf32>,
      %add3A_138 = arith.constant 288 : i32
      %add3A_139 = vector.broadcast %add3A_138 : i32 to vector<16xi32>
      %add3A_140 = arith.addi %iota3A, %add3A_139 : vector<16xi32>
      tpu.vector_store_idx %arg10[%add3A_83, %add3A_140], %broadcast_in_dim3A_3 : memref<8x1024xf32, #tpu.memory_space<vmem>>[vector<16xi32>, vector<16xi32>], vector<16xf32>,
      %add3A_141 = arith.constant 304 : i32
      %add3A_142 = vector.broadcast %add3A_141 : i32 to vector<16xi32>
      %add3A_143 = arith.addi %iota3A, %add3A_142 : vector<16xi32>
      tpu.vector_store_idx %arg10[%add3A_83, %add3A_143], %broadcast_in_dim3A_3 : memref<8x1024xf32, #tpu.memory_space<vmem>>[vector<16xi32>, vector<16xi32>], vector<16xf32>,
      %add3A_144 = arith.constant 320 : i32
      %add3A_145 = vector.broadcast %add3A_144 : i32 to vector<16xi32>
      %add3A_146 = arith.addi %iota3A, %add3A_145 : vector<16xi32>
      tpu.vector_store_idx %arg10[%add3A_83, %add3A_146], %broadcast_in_dim3A_3 : memref<8x1024xf32, #tpu.memory_space<vmem>>[vector<16xi32>, vector<16xi32>], vector<16xf32>,
      %add3A_147 = arith.constant 336 : i32
      %add3A_148 = vector.broadcast %add3A_147 : i32 to vector<16xi32>
      %add3A_149 = arith.addi %iota3A, %add3A_148 : vector<16xi32>
      tpu.vector_store_idx %arg10[%add3A_83, %add3A_149], %broadcast_in_dim3A_3 : memref<8x1024xf32, #tpu.memory_space<vmem>>[vector<16xi32>, vector<16xi32>], vector<16xf32>,
      %add3A_150 = arith.constant 352 : i32
      %add3A_151 = vector.broadcast %add3A_150 : i32 to vector<16xi32>
      %add3A_152 = arith.addi %iota3A, %add3A_151 : vector<16xi32>
      tpu.vector_store_idx %arg10[%add3A_83, %add3A_152], %broadcast_in_dim3A_3 : memref<8x1024xf32, #tpu.memory_space<vmem>>[vector<16xi32>, vector<16xi32>], vector<16xf32>,
      %add3A_153 = arith.constant 368 : i32
      %add3A_154 = vector.broadcast %add3A_153 : i32 to vector<16xi32>
      %add3A_155 = arith.addi %iota3A, %add3A_154 : vector<16xi32>
      tpu.vector_store_idx %arg10[%add3A_83, %add3A_155], %broadcast_in_dim3A_3 : memref<8x1024xf32, #tpu.memory_space<vmem>>[vector<16xi32>, vector<16xi32>], vector<16xf32>,
      %add3A_156 = arith.constant 384 : i32
      %add3A_157 = vector.broadcast %add3A_156 : i32 to vector<16xi32>
      %add3A_158 = arith.addi %iota3A, %add3A_157 : vector<16xi32>
      tpu.vector_store_idx %arg10[%add3A_83, %add3A_158], %broadcast_in_dim3A_3 : memref<8x1024xf32, #tpu.memory_space<vmem>>[vector<16xi32>, vector<16xi32>], vector<16xf32>,
      %add3A_159 = arith.constant 400 : i32
      %add3A_160 = vector.broadcast %add3A_159 : i32 to vector<16xi32>
      %add3A_161 = arith.addi %iota3A, %add3A_160 : vector<16xi32>
      tpu.vector_store_idx %arg10[%add3A_83, %add3A_161], %broadcast_in_dim3A_3 : memref<8x1024xf32, #tpu.memory_space<vmem>>[vector<16xi32>, vector<16xi32>], vector<16xf32>,
      %add3A_162 = arith.constant 416 : i32
      %add3A_163 = vector.broadcast %add3A_162 : i32 to vector<16xi32>
      %add3A_164 = arith.addi %iota3A, %add3A_163 : vector<16xi32>
      tpu.vector_store_idx %arg10[%add3A_83, %add3A_164], %broadcast_in_dim3A_3 : memref<8x1024xf32, #tpu.memory_space<vmem>>[vector<16xi32>, vector<16xi32>], vector<16xf32>,
      %add3A_165 = arith.constant 432 : i32
      %add3A_166 = vector.broadcast %add3A_165 : i32 to vector<16xi32>
      %add3A_167 = arith.addi %iota3A, %add3A_166 : vector<16xi32>
      tpu.vector_store_idx %arg10[%add3A_83, %add3A_167], %broadcast_in_dim3A_3 : memref<8x1024xf32, #tpu.memory_space<vmem>>[vector<16xi32>, vector<16xi32>], vector<16xf32>,
      %add3A_168 = arith.constant 448 : i32
      %add3A_169 = vector.broadcast %add3A_168 : i32 to vector<16xi32>
      %add3A_170 = arith.addi %iota3A, %add3A_169 : vector<16xi32>
      tpu.vector_store_idx %arg10[%add3A_83, %add3A_170], %broadcast_in_dim3A_3 : memref<8x1024xf32, #tpu.memory_space<vmem>>[vector<16xi32>, vector<16xi32>], vector<16xf32>,
      %add3A_171 = arith.constant 464 : i32
      %add3A_172 = vector.broadcast %add3A_171 : i32 to vector<16xi32>
      %add3A_173 = arith.addi %iota3A, %add3A_172 : vector<16xi32>
      tpu.vector_store_idx %arg10[%add3A_83, %add3A_173], %broadcast_in_dim3A_3 : memref<8x1024xf32, #tpu.memory_space<vmem>>[vector<16xi32>, vector<16xi32>], vector<16xf32>,
      %add3A_174 = arith.constant 480 : i32
      %add3A_175 = vector.broadcast %add3A_174 : i32 to vector<16xi32>
      %add3A_176 = arith.addi %iota3A, %add3A_175 : vector<16xi32>
      tpu.vector_store_idx %arg10[%add3A_83, %add3A_176], %broadcast_in_dim3A_3 : memref<8x1024xf32, #tpu.memory_space<vmem>>[vector<16xi32>, vector<16xi32>], vector<16xf32>,
      %add3A_177 = arith.constant 496 : i32
      %add3A_178 = vector.broadcast %add3A_177 : i32 to vector<16xi32>
      %add3A_179 = arith.addi %iota3A, %add3A_178 : vector<16xi32>
      tpu.vector_store_idx %arg10[%add3A_83, %add3A_179], %broadcast_in_dim3A_3 : memref<8x1024xf32, #tpu.memory_space<vmem>>[vector<16xi32>, vector<16xi32>], vector<16xf32>,
      %add3A_180 = arith.constant 512 : i32
      %add3A_181 = vector.broadcast %add3A_180 : i32 to vector<16xi32>
      %add3A_182 = arith.addi %iota3A, %add3A_181 : vector<16xi32>
      tpu.vector_store_idx %arg10[%add3A_83, %add3A_182], %broadcast_in_dim3A_3 : memref<8x1024xf32, #tpu.memory_space<vmem>>[vector<16xi32>, vector<16xi32>], vector<16xf32>,
      %add3A_183 = arith.constant 528 : i32
      %add3A_184 = vector.broadcast %add3A_183 : i32 to vector<16xi32>
      %add3A_185 = arith.addi %iota3A, %add3A_184 : vector<16xi32>
      tpu.vector_store_idx %arg10[%add3A_83, %add3A_185], %broadcast_in_dim3A_3 : memref<8x1024xf32, #tpu.memory_space<vmem>>[vector<16xi32>, vector<16xi32>], vector<16xf32>,
      %add3A_186 = arith.constant 544 : i32
      %add3A_187 = vector.broadcast %add3A_186 : i32 to vector<16xi32>
      %add3A_188 = arith.addi %iota3A, %add3A_187 : vector<16xi32>
      tpu.vector_store_idx %arg10[%add3A_83, %add3A_188], %broadcast_in_dim3A_3 : memref<8x1024xf32, #tpu.memory_space<vmem>>[vector<16xi32>, vector<16xi32>], vector<16xf32>,
      %add3A_189 = arith.constant 560 : i32
      %add3A_190 = vector.broadcast %add3A_189 : i32 to vector<16xi32>
      %add3A_191 = arith.addi %iota3A, %add3A_190 : vector<16xi32>
      tpu.vector_store_idx %arg10[%add3A_83, %add3A_191], %broadcast_in_dim3A_3 : memref<8x1024xf32, #tpu.memory_space<vmem>>[vector<16xi32>, vector<16xi32>], vector<16xf32>,
      %add3A_192 = arith.constant 576 : i32
      %add3A_193 = vector.broadcast %add3A_192 : i32 to vector<16xi32>
      %add3A_194 = arith.addi %iota3A, %add3A_193 : vector<16xi32>
      tpu.vector_store_idx %arg10[%add3A_83, %add3A_194], %broadcast_in_dim3A_3 : memref<8x1024xf32, #tpu.memory_space<vmem>>[vector<16xi32>, vector<16xi32>], vector<16xf32>,
      %add3A_195 = arith.constant 592 : i32
      %add3A_196 = vector.broadcast %add3A_195 : i32 to vector<16xi32>
      %add3A_197 = arith.addi %iota3A, %add3A_196 : vector<16xi32>
      tpu.vector_store_idx %arg10[%add3A_83, %add3A_197], %broadcast_in_dim3A_3 : memref<8x1024xf32, #tpu.memory_space<vmem>>[vector<16xi32>, vector<16xi32>], vector<16xf32>,
      %add3A_198 = arith.constant 608 : i32
      %add3A_199 = vector.broadcast %add3A_198 : i32 to vector<16xi32>
      %add3A_200 = arith.addi %iota3A, %add3A_199 : vector<16xi32>
      tpu.vector_store_idx %arg10[%add3A_83, %add3A_200], %broadcast_in_dim3A_3 : memref<8x1024xf32, #tpu.memory_space<vmem>>[vector<16xi32>, vector<16xi32>], vector<16xf32>,
      %add3A_201 = arith.constant 624 : i32
      %add3A_202 = vector.broadcast %add3A_201 : i32 to vector<16xi32>
      %add3A_203 = arith.addi %iota3A, %add3A_202 : vector<16xi32>
      tpu.vector_store_idx %arg10[%add3A_83, %add3A_203], %broadcast_in_dim3A_3 : memref<8x1024xf32, #tpu.memory_space<vmem>>[vector<16xi32>, vector<16xi32>], vector<16xf32>,
      %add3A_204 = arith.constant 640 : i32
      %add3A_205 = vector.broadcast %add3A_204 : i32 to vector<16xi32>
      %add3A_206 = arith.addi %iota3A, %add3A_205 : vector<16xi32>
      tpu.vector_store_idx %arg10[%add3A_83, %add3A_206], %broadcast_in_dim3A_3 : memref<8x1024xf32, #tpu.memory_space<vmem>>[vector<16xi32>, vector<16xi32>], vector<16xf32>,
      %add3A_207 = arith.constant 656 : i32
      %add3A_208 = vector.broadcast %add3A_207 : i32 to vector<16xi32>
      %add3A_209 = arith.addi %iota3A, %add3A_208 : vector<16xi32>
      tpu.vector_store_idx %arg10[%add3A_83, %add3A_209], %broadcast_in_dim3A_3 : memref<8x1024xf32, #tpu.memory_space<vmem>>[vector<16xi32>, vector<16xi32>], vector<16xf32>,
      %add3A_210 = arith.constant 672 : i32
      %add3A_211 = vector.broadcast %add3A_210 : i32 to vector<16xi32>
      %add3A_212 = arith.addi %iota3A, %add3A_211 : vector<16xi32>
      tpu.vector_store_idx %arg10[%add3A_83, %add3A_212], %broadcast_in_dim3A_3 : memref<8x1024xf32, #tpu.memory_space<vmem>>[vector<16xi32>, vector<16xi32>], vector<16xf32>,
      %add3A_213 = arith.constant 688 : i32
      %add3A_214 = vector.broadcast %add3A_213 : i32 to vector<16xi32>
      %add3A_215 = arith.addi %iota3A, %add3A_214 : vector<16xi32>
      tpu.vector_store_idx %arg10[%add3A_83, %add3A_215], %broadcast_in_dim3A_3 : memref<8x1024xf32, #tpu.memory_space<vmem>>[vector<16xi32>, vector<16xi32>], vector<16xf32>,
      %add3A_216 = arith.constant 704 : i32
      %add3A_217 = vector.broadcast %add3A_216 : i32 to vector<16xi32>
      %add3A_218 = arith.addi %iota3A, %add3A_217 : vector<16xi32>
      tpu.vector_store_idx %arg10[%add3A_83, %add3A_218], %broadcast_in_dim3A_3 : memref<8x1024xf32, #tpu.memory_space<vmem>>[vector<16xi32>, vector<16xi32>], vector<16xf32>,
      %add3A_219 = arith.constant 720 : i32
      %add3A_220 = vector.broadcast %add3A_219 : i32 to vector<16xi32>
      %add3A_221 = arith.addi %iota3A, %add3A_220 : vector<16xi32>
      tpu.vector_store_idx %arg10[%add3A_83, %add3A_221], %broadcast_in_dim3A_3 : memref<8x1024xf32, #tpu.memory_space<vmem>>[vector<16xi32>, vector<16xi32>], vector<16xf32>,
      %add3A_222 = arith.constant 736 : i32
      %add3A_223 = vector.broadcast %add3A_222 : i32 to vector<16xi32>
      %add3A_224 = arith.addi %iota3A, %add3A_223 : vector<16xi32>
      tpu.vector_store_idx %arg10[%add3A_83, %add3A_224], %broadcast_in_dim3A_3 : memref<8x1024xf32, #tpu.memory_space<vmem>>[vector<16xi32>, vector<16xi32>], vector<16xf32>,
      %add3A_225 = arith.constant 752 : i32
      %add3A_226 = vector.broadcast %add3A_225 : i32 to vector<16xi32>
      %add3A_227 = arith.addi %iota3A, %add3A_226 : vector<16xi32>
      tpu.vector_store_idx %arg10[%add3A_83, %add3A_227], %broadcast_in_dim3A_3 : memref<8x1024xf32, #tpu.memory_space<vmem>>[vector<16xi32>, vector<16xi32>], vector<16xf32>,
      %add3A_228 = arith.constant 768 : i32
      %add3A_229 = vector.broadcast %add3A_228 : i32 to vector<16xi32>
      %add3A_230 = arith.addi %iota3A, %add3A_229 : vector<16xi32>
      tpu.vector_store_idx %arg10[%add3A_83, %add3A_230], %broadcast_in_dim3A_3 : memref<8x1024xf32, #tpu.memory_space<vmem>>[vector<16xi32>, vector<16xi32>], vector<16xf32>,
      %add3A_231 = arith.constant 784 : i32
      %add3A_232 = vector.broadcast %add3A_231 : i32 to vector<16xi32>
      %add3A_233 = arith.addi %iota3A, %add3A_232 : vector<16xi32>
      tpu.vector_store_idx %arg10[%add3A_83, %add3A_233], %broadcast_in_dim3A_3 : memref<8x1024xf32, #tpu.memory_space<vmem>>[vector<16xi32>, vector<16xi32>], vector<16xf32>,
      %add3A_234 = arith.constant 800 : i32
      %add3A_235 = vector.broadcast %add3A_234 : i32 to vector<16xi32>
      %add3A_236 = arith.addi %iota3A, %add3A_235 : vector<16xi32>
      tpu.vector_store_idx %arg10[%add3A_83, %add3A_236], %broadcast_in_dim3A_3 : memref<8x1024xf32, #tpu.memory_space<vmem>>[vector<16xi32>, vector<16xi32>], vector<16xf32>,
      %add3A_237 = arith.constant 816 : i32
      %add3A_238 = vector.broadcast %add3A_237 : i32 to vector<16xi32>
      %add3A_239 = arith.addi %iota3A, %add3A_238 : vector<16xi32>
      tpu.vector_store_idx %arg10[%add3A_83, %add3A_239], %broadcast_in_dim3A_3 : memref<8x1024xf32, #tpu.memory_space<vmem>>[vector<16xi32>, vector<16xi32>], vector<16xf32>,
      %add3A_240 = arith.constant 832 : i32
      %add3A_241 = vector.broadcast %add3A_240 : i32 to vector<16xi32>
      %add3A_242 = arith.addi %iota3A, %add3A_241 : vector<16xi32>
      tpu.vector_store_idx %arg10[%add3A_83, %add3A_242], %broadcast_in_dim3A_3 : memref<8x1024xf32, #tpu.memory_space<vmem>>[vector<16xi32>, vector<16xi32>], vector<16xf32>,
      %add3A_243 = arith.constant 848 : i32
      %add3A_244 = vector.broadcast %add3A_243 : i32 to vector<16xi32>
      %add3A_245 = arith.addi %iota3A, %add3A_244 : vector<16xi32>
      tpu.vector_store_idx %arg10[%add3A_83, %add3A_245], %broadcast_in_dim3A_3 : memref<8x1024xf32, #tpu.memory_space<vmem>>[vector<16xi32>, vector<16xi32>], vector<16xf32>,
      %add3A_246 = arith.constant 864 : i32
      %add3A_247 = vector.broadcast %add3A_246 : i32 to vector<16xi32>
      %add3A_248 = arith.addi %iota3A, %add3A_247 : vector<16xi32>
      tpu.vector_store_idx %arg10[%add3A_83, %add3A_248], %broadcast_in_dim3A_3 : memref<8x1024xf32, #tpu.memory_space<vmem>>[vector<16xi32>, vector<16xi32>], vector<16xf32>,
      %add3A_249 = arith.constant 880 : i32
      %add3A_250 = vector.broadcast %add3A_249 : i32 to vector<16xi32>
      %add3A_251 = arith.addi %iota3A, %add3A_250 : vector<16xi32>
      tpu.vector_store_idx %arg10[%add3A_83, %add3A_251], %broadcast_in_dim3A_3 : memref<8x1024xf32, #tpu.memory_space<vmem>>[vector<16xi32>, vector<16xi32>], vector<16xf32>,
      %add3A_252 = arith.constant 896 : i32
      %add3A_253 = vector.broadcast %add3A_252 : i32 to vector<16xi32>
      %add3A_254 = arith.addi %iota3A, %add3A_253 : vector<16xi32>
      tpu.vector_store_idx %arg10[%add3A_83, %add3A_254], %broadcast_in_dim3A_3 : memref<8x1024xf32, #tpu.memory_space<vmem>>[vector<16xi32>, vector<16xi32>], vector<16xf32>,
      %add3A_255 = arith.constant 912 : i32
      %add3A_256 = vector.broadcast %add3A_255 : i32 to vector<16xi32>
      %add3A_257 = arith.addi %iota3A, %add3A_256 : vector<16xi32>
      tpu.vector_store_idx %arg10[%add3A_83, %add3A_257], %broadcast_in_dim3A_3 : memref<8x1024xf32, #tpu.memory_space<vmem>>[vector<16xi32>, vector<16xi32>], vector<16xf32>,
      %add3A_258 = arith.constant 928 : i32
      %add3A_259 = vector.broadcast %add3A_258 : i32 to vector<16xi32>
      %add3A_260 = arith.addi %iota3A, %add3A_259 : vector<16xi32>
      tpu.vector_store_idx %arg10[%add3A_83, %add3A_260], %broadcast_in_dim3A_3 : memref<8x1024xf32, #tpu.memory_space<vmem>>[vector<16xi32>, vector<16xi32>], vector<16xf32>,
      %add3A_261 = arith.constant 944 : i32
      %add3A_262 = vector.broadcast %add3A_261 : i32 to vector<16xi32>
      %add3A_263 = arith.addi %iota3A, %add3A_262 : vector<16xi32>
      tpu.vector_store_idx %arg10[%add3A_83, %add3A_263], %broadcast_in_dim3A_3 : memref<8x1024xf32, #tpu.memory_space<vmem>>[vector<16xi32>, vector<16xi32>], vector<16xf32>,
      %add3A_264 = arith.constant 960 : i32
      %add3A_265 = vector.broadcast %add3A_264 : i32 to vector<16xi32>
      %add3A_266 = arith.addi %iota3A, %add3A_265 : vector<16xi32>
      tpu.vector_store_idx %arg10[%add3A_83, %add3A_266], %broadcast_in_dim3A_3 : memref<8x1024xf32, #tpu.memory_space<vmem>>[vector<16xi32>, vector<16xi32>], vector<16xf32>,
      %add3A_267 = arith.constant 976 : i32
      %add3A_268 = vector.broadcast %add3A_267 : i32 to vector<16xi32>
      %add3A_269 = arith.addi %iota3A, %add3A_268 : vector<16xi32>
      tpu.vector_store_idx %arg10[%add3A_83, %add3A_269], %broadcast_in_dim3A_3 : memref<8x1024xf32, #tpu.memory_space<vmem>>[vector<16xi32>, vector<16xi32>], vector<16xf32>,
      %add3A_270 = arith.constant 992 : i32
      %add3A_271 = vector.broadcast %add3A_270 : i32 to vector<16xi32>
      %add3A_272 = arith.addi %iota3A, %add3A_271 : vector<16xi32>
      tpu.vector_store_idx %arg10[%add3A_83, %add3A_272], %broadcast_in_dim3A_3 : memref<8x1024xf32, #tpu.memory_space<vmem>>[vector<16xi32>, vector<16xi32>], vector<16xf32>,
      %add3A_273 = arith.constant 1008 : i32
      %add3A_274 = vector.broadcast %add3A_273 : i32 to vector<16xi32>
      %add3A_275 = arith.addi %iota3A, %add3A_274 : vector<16xi32>
      tpu.vector_store_idx %arg10[%add3A_83, %add3A_275], %broadcast_in_dim3A_3 : memref<8x1024xf32, #tpu.memory_space<vmem>>[vector<16xi32>, vector<16xi32>], vector<16xf32>,
    }
    %scan3A_60 = arith.constant 8 : i32
    %scan3A_61 = arith.constant 0 : i32
    %scan3A_62 = arith.constant 0 : i32
    %scan3A_63 = arith.constant 8 : i32
    %scan3A_64 = arith.addi %scan3A_62, %scan3A_63 : i32
    %scan3A_65 = arith.constant 1 : i32
    scf.for %scan3A_79 = %scan3A_62 to %scan3A_64 step %scan3A_65  : i32 {
      %broadcast_in_dim3A_80 = arith.constant 0.000000e+00 : f32
      %broadcast_in_dim3A_81 = vector.broadcast %broadcast_in_dim3A_80 : f32 to vector<16xf32>
      %broadcast_in_dim3A_82 = arith.constant 1.000000e+00 : f32
      %broadcast_in_dim3A_83 = vector.broadcast %broadcast_in_dim3A_82 : f32 to vector<16xf32>
      %broadcast_in_dim3A_84 = arith.constant 1.000000e+00 : f32
      %broadcast_in_dim3A_85 = vector.broadcast %broadcast_in_dim3A_84 : f32 to vector<16xf32>
      %iota3A = tpu.iota {dimensions = array<i32: 0>} : vector<16xi32>
      %broadcast_in_dim3A_86 = arith.constant 0 : i32
      %broadcast_in_dim3A_87 = vector.broadcast %broadcast_in_dim3A_86 : i32 to vector<16xi32>
      %add3A_88 = vector.broadcast %scan3A_79 : i32 to vector<16xi32>
      %add3A_89 = arith.addi %broadcast_in_dim3A_87, %add3A_88 : vector<16xi32>
      %lt3A = arith.constant 3 : i32
      %lt3A_90 = vector.broadcast %lt3A : i32 to vector<16xi32>
      %lt3A_91 = arith.cmpi slt, %iota3A, %lt3A_90 : vector<16xi32>
      %add3A_92 = arith.constant 1 : i32
      %add3A_93 = vector.broadcast %add3A_92 : i32 to vector<16xi32>
      %add3A_94 = arith.addi %iota3A, %add3A_93 : vector<16xi32>
      %gather3A = tpu.vector_load_idx %arg6[%add3A_89, %add3A_94] : memref<8x128xi32, #tpu.memory_space<vmem>>[vector<16xi32>, vector<16xi32>], vector<16xi32>,
      %add3A_95 = arith.constant 17 : i32
      %add3A_96 = vector.broadcast %add3A_95 : i32 to vector<16xi32>
      %add3A_97 = arith.addi %iota3A, %add3A_96 : vector<16xi32>
      %gather3A_98 = tpu.vector_load_idx %arg6[%add3A_89, %add3A_97] : memref<8x128xi32, #tpu.memory_space<vmem>>[vector<16xi32>, vector<16xi32>], vector<16xi32>,
      %add3A_99 = arith.constant 33 : i32
      %add3A_100 = vector.broadcast %add3A_99 : i32 to vector<16xi32>
      %add3A_101 = arith.addi %iota3A, %add3A_100 : vector<16xi32>
      %gather3A_102 = tpu.vector_load_idx %arg6[%add3A_89, %add3A_101] : memref<8x128xi32, #tpu.memory_space<vmem>>[vector<16xi32>, vector<16xi32>], vector<16xi32>,
      %add3A_103 = arith.constant 49 : i32
      %add3A_104 = vector.broadcast %add3A_103 : i32 to vector<16xi32>
      %add3A_105 = arith.addi %iota3A, %add3A_104 : vector<16xi32>
      %gather3A_106 = tpu.vector_load_idx %arg6[%add3A_89, %add3A_105] : memref<8x128xi32, #tpu.memory_space<vmem>>[vector<16xi32>, vector<16xi32>], vector<16xi32>,
      %add3A_107 = arith.constant 65 : i32
      %add3A_108 = vector.broadcast %add3A_107 : i32 to vector<16xi32>
      %add3A_109 = arith.addi %iota3A, %add3A_108 : vector<16xi32>
      %gather3A_110 = tpu.vector_load_idx %arg6[%add3A_89, %add3A_109] : memref<8x128xi32, #tpu.memory_space<vmem>>[vector<16xi32>, vector<16xi32>], vector<16xi32>,
      %add3A_111 = arith.constant 81 : i32
      %add3A_112 = vector.broadcast %add3A_111 : i32 to vector<16xi32>
      %add3A_113 = arith.addi %iota3A, %add3A_112 : vector<16xi32>
      %gather3A_114 = tpu.vector_load_idx %arg6[%add3A_89, %add3A_113] : memref<8x128xi32, #tpu.memory_space<vmem>>[vector<16xi32>, vector<16xi32>], vector<16xi32>,
      %add3A_115 = arith.constant 97 : i32
      %add3A_116 = vector.broadcast %add3A_115 : i32 to vector<16xi32>
      %add3A_117 = arith.addi %iota3A, %add3A_116 : vector<16xi32>
      %gather3A_118 = tpu.vector_load_idx %arg6[%add3A_89, %add3A_117] : memref<8x128xi32, #tpu.memory_space<vmem>>[vector<16xi32>, vector<16xi32>], vector<16xi32>,
      tpu.vector_store_idx %arg11[%gather3A], %broadcast_in_dim3A_81 : memref<1024xf32, #tpu.memory_space<vmem>>[vector<16xi32>], vector<16xf32>,
      tpu.vector_store_idx %arg12[%gather3A], %broadcast_in_dim3A_81 : memref<1024xf32, #tpu.memory_space<vmem>>[vector<16xi32>], vector<16xf32>,
      tpu.vector_store_idx %arg11[%gather3A_98], %broadcast_in_dim3A_81 : memref<1024xf32, #tpu.memory_space<vmem>>[vector<16xi32>], vector<16xf32>,
      tpu.vector_store_idx %arg12[%gather3A_98], %broadcast_in_dim3A_81 : memref<1024xf32, #tpu.memory_space<vmem>>[vector<16xi32>], vector<16xf32>,
      tpu.vector_store_idx %arg11[%gather3A_102], %broadcast_in_dim3A_81 : memref<1024xf32, #tpu.memory_space<vmem>>[vector<16xi32>], vector<16xf32>,
      tpu.vector_store_idx %arg12[%gather3A_102], %broadcast_in_dim3A_81 : memref<1024xf32, #tpu.memory_space<vmem>>[vector<16xi32>], vector<16xf32>,
      tpu.vector_store_idx %arg11[%gather3A_106], %broadcast_in_dim3A_81 : memref<1024xf32, #tpu.memory_space<vmem>>[vector<16xi32>], vector<16xf32>,
      tpu.vector_store_idx %arg12[%gather3A_106], %broadcast_in_dim3A_81 : memref<1024xf32, #tpu.memory_space<vmem>>[vector<16xi32>], vector<16xf32>,
      tpu.vector_store_idx %arg11[%gather3A_110], %broadcast_in_dim3A_81 : memref<1024xf32, #tpu.memory_space<vmem>>[vector<16xi32>], vector<16xf32>,
      tpu.vector_store_idx %arg12[%gather3A_110], %broadcast_in_dim3A_81 : memref<1024xf32, #tpu.memory_space<vmem>>[vector<16xi32>], vector<16xf32>,
      tpu.vector_store_idx %arg11[%gather3A_114], %broadcast_in_dim3A_81 : memref<1024xf32, #tpu.memory_space<vmem>>[vector<16xi32>], vector<16xf32>,
      tpu.vector_store_idx %arg12[%gather3A_114], %broadcast_in_dim3A_81 : memref<1024xf32, #tpu.memory_space<vmem>>[vector<16xi32>], vector<16xf32>,
      tpu.vector_store_idx %arg11[%gather3A_118], %broadcast_in_dim3A_81 masked %lt3A_91 : memref<1024xf32, #tpu.memory_space<vmem>>[vector<16xi32>], vector<16xf32>, vector<16xi1>
      tpu.vector_store_idx %arg12[%gather3A_118], %broadcast_in_dim3A_81 masked %lt3A_91 : memref<1024xf32, #tpu.memory_space<vmem>>[vector<16xi32>], vector<16xf32>, vector<16xi1>
      %add3A_119 = arith.constant 0 : i32
      %add3A_120 = vector.broadcast %add3A_119 : i32 to vector<16xi32>
      %add3A_121 = arith.addi %iota3A, %add3A_120 : vector<16xi32>
      %gather3A_122 = tpu.vector_load_idx %arg6[%add3A_89, %add3A_121] : memref<8x128xi32, #tpu.memory_space<vmem>>[vector<16xi32>, vector<16xi32>], vector<16xi32>,
      %gather3A_123 = tpu.vector_load_idx %arg8[%add3A_89, %gather3A_122] : memref<8x1024xf32, #tpu.memory_space<vmem>>[vector<16xi32>, vector<16xi32>], vector<16xf32>,
      tpu.vector_store_idx %arg11[%gather3A], %gather3A_123 {add = true} : memref<1024xf32, #tpu.memory_space<vmem>>[vector<16xi32>], vector<16xf32>,
      tpu.vector_store_idx %arg12[%gather3A], %broadcast_in_dim3A_83 {add = true} : memref<1024xf32, #tpu.memory_space<vmem>>[vector<16xi32>], vector<16xf32>,
      %add3A_124 = arith.constant 16 : i32
      %add3A_125 = vector.broadcast %add3A_124 : i32 to vector<16xi32>
      %add3A_126 = arith.addi %iota3A, %add3A_125 : vector<16xi32>
      %gather3A_127 = tpu.vector_load_idx %arg6[%add3A_89, %add3A_126] : memref<8x128xi32, #tpu.memory_space<vmem>>[vector<16xi32>, vector<16xi32>], vector<16xi32>,
      %gather3A_128 = tpu.vector_load_idx %arg8[%add3A_89, %gather3A_127] : memref<8x1024xf32, #tpu.memory_space<vmem>>[vector<16xi32>, vector<16xi32>], vector<16xf32>,
      tpu.vector_store_idx %arg11[%gather3A_98], %gather3A_128 {add = true} : memref<1024xf32, #tpu.memory_space<vmem>>[vector<16xi32>], vector<16xf32>,
      tpu.vector_store_idx %arg12[%gather3A_98], %broadcast_in_dim3A_83 {add = true} : memref<1024xf32, #tpu.memory_space<vmem>>[vector<16xi32>], vector<16xf32>,
      %add3A_129 = arith.constant 32 : i32
      %add3A_130 = vector.broadcast %add3A_129 : i32 to vector<16xi32>
      %add3A_131 = arith.addi %iota3A, %add3A_130 : vector<16xi32>
      %gather3A_132 = tpu.vector_load_idx %arg6[%add3A_89, %add3A_131] : memref<8x128xi32, #tpu.memory_space<vmem>>[vector<16xi32>, vector<16xi32>], vector<16xi32>,
      %gather3A_133 = tpu.vector_load_idx %arg8[%add3A_89, %gather3A_132] : memref<8x1024xf32, #tpu.memory_space<vmem>>[vector<16xi32>, vector<16xi32>], vector<16xf32>,
      tpu.vector_store_idx %arg11[%gather3A_102], %gather3A_133 {add = true} : memref<1024xf32, #tpu.memory_space<vmem>>[vector<16xi32>], vector<16xf32>,
      tpu.vector_store_idx %arg12[%gather3A_102], %broadcast_in_dim3A_83 {add = true} : memref<1024xf32, #tpu.memory_space<vmem>>[vector<16xi32>], vector<16xf32>,
      %add3A_134 = arith.constant 48 : i32
      %add3A_135 = vector.broadcast %add3A_134 : i32 to vector<16xi32>
      %add3A_136 = arith.addi %iota3A, %add3A_135 : vector<16xi32>
      %gather3A_137 = tpu.vector_load_idx %arg6[%add3A_89, %add3A_136] : memref<8x128xi32, #tpu.memory_space<vmem>>[vector<16xi32>, vector<16xi32>], vector<16xi32>,
      %gather3A_138 = tpu.vector_load_idx %arg8[%add3A_89, %gather3A_137] : memref<8x1024xf32, #tpu.memory_space<vmem>>[vector<16xi32>, vector<16xi32>], vector<16xf32>,
      tpu.vector_store_idx %arg11[%gather3A_106], %gather3A_138 {add = true} : memref<1024xf32, #tpu.memory_space<vmem>>[vector<16xi32>], vector<16xf32>,
      tpu.vector_store_idx %arg12[%gather3A_106], %broadcast_in_dim3A_83 {add = true} : memref<1024xf32, #tpu.memory_space<vmem>>[vector<16xi32>], vector<16xf32>,
      %add3A_139 = arith.constant 64 : i32
      %add3A_140 = vector.broadcast %add3A_139 : i32 to vector<16xi32>
      %add3A_141 = arith.addi %iota3A, %add3A_140 : vector<16xi32>
      %gather3A_142 = tpu.vector_load_idx %arg6[%add3A_89, %add3A_141] : memref<8x128xi32, #tpu.memory_space<vmem>>[vector<16xi32>, vector<16xi32>], vector<16xi32>,
      %gather3A_143 = tpu.vector_load_idx %arg8[%add3A_89, %gather3A_142] : memref<8x1024xf32, #tpu.memory_space<vmem>>[vector<16xi32>, vector<16xi32>], vector<16xf32>,
      tpu.vector_store_idx %arg11[%gather3A_110], %gather3A_143 {add = true} : memref<1024xf32, #tpu.memory_space<vmem>>[vector<16xi32>], vector<16xf32>,
      tpu.vector_store_idx %arg12[%gather3A_110], %broadcast_in_dim3A_83 {add = true} : memref<1024xf32, #tpu.memory_space<vmem>>[vector<16xi32>], vector<16xf32>,
      %add3A_144 = arith.constant 80 : i32
      %add3A_145 = vector.broadcast %add3A_144 : i32 to vector<16xi32>
      %add3A_146 = arith.addi %iota3A, %add3A_145 : vector<16xi32>
      %gather3A_147 = tpu.vector_load_idx %arg6[%add3A_89, %add3A_146] : memref<8x128xi32, #tpu.memory_space<vmem>>[vector<16xi32>, vector<16xi32>], vector<16xi32>,
      %gather3A_148 = tpu.vector_load_idx %arg8[%add3A_89, %gather3A_147] : memref<8x1024xf32, #tpu.memory_space<vmem>>[vector<16xi32>, vector<16xi32>], vector<16xf32>,
      tpu.vector_store_idx %arg11[%gather3A_114], %gather3A_148 {add = true} : memref<1024xf32, #tpu.memory_space<vmem>>[vector<16xi32>], vector<16xf32>,
      tpu.vector_store_idx %arg12[%gather3A_114], %broadcast_in_dim3A_83 {add = true} : memref<1024xf32, #tpu.memory_space<vmem>>[vector<16xi32>], vector<16xf32>,
      %add3A_149 = arith.constant 96 : i32
      %add3A_150 = vector.broadcast %add3A_149 : i32 to vector<16xi32>
      %add3A_151 = arith.addi %iota3A, %add3A_150 : vector<16xi32>
      %gather3A_152 = tpu.vector_load_idx %arg6[%add3A_89, %add3A_151] : memref<8x128xi32, #tpu.memory_space<vmem>>[vector<16xi32>, vector<16xi32>], vector<16xi32>,
      %gather3A_153 = tpu.vector_load_idx %arg8[%add3A_89, %gather3A_152] : memref<8x1024xf32, #tpu.memory_space<vmem>>[vector<16xi32>, vector<16xi32>], vector<16xf32>,
      tpu.vector_store_idx %arg11[%gather3A_118], %gather3A_153 masked %lt3A_91 {add = true} : memref<1024xf32, #tpu.memory_space<vmem>>[vector<16xi32>], vector<16xf32>, vector<16xi1>
      tpu.vector_store_idx %arg12[%gather3A_118], %broadcast_in_dim3A_83 masked %lt3A_91 {add = true} : memref<1024xf32, #tpu.memory_space<vmem>>[vector<16xi32>], vector<16xf32>, vector<16xi1>
      %gather3A_154 = tpu.vector_load_idx %arg11[%gather3A] : memref<1024xf32, #tpu.memory_space<vmem>>[vector<16xi32>], vector<16xf32>,
      %gather3A_155 = tpu.vector_load_idx %arg12[%gather3A] : memref<1024xf32, #tpu.memory_space<vmem>>[vector<16xi32>], vector<16xf32>,
      %max3A = arith.maximumf %gather3A_155, %broadcast_in_dim3A_85 : vector<16xf32>
      %div3A = arith.divf %gather3A_154, %max3A : vector<16xf32>
      tpu.vector_store_idx %arg10[%add3A_89, %gather3A], %div3A : memref<8x1024xf32, #tpu.memory_space<vmem>>[vector<16xi32>, vector<16xi32>], vector<16xf32>,
      %gather3A_156 = tpu.vector_load_idx %arg11[%gather3A_98] : memref<1024xf32, #tpu.memory_space<vmem>>[vector<16xi32>], vector<16xf32>,
      %gather3A_157 = tpu.vector_load_idx %arg12[%gather3A_98] : memref<1024xf32, #tpu.memory_space<vmem>>[vector<16xi32>], vector<16xf32>,
      %max3A_158 = arith.maximumf %gather3A_157, %broadcast_in_dim3A_85 : vector<16xf32>
      %div3A_159 = arith.divf %gather3A_156, %max3A_158 : vector<16xf32>
      tpu.vector_store_idx %arg10[%add3A_89, %gather3A_98], %div3A_159 : memref<8x1024xf32, #tpu.memory_space<vmem>>[vector<16xi32>, vector<16xi32>], vector<16xf32>,
      %gather3A_160 = tpu.vector_load_idx %arg11[%gather3A_102] : memref<1024xf32, #tpu.memory_space<vmem>>[vector<16xi32>], vector<16xf32>,
      %gather3A_161 = tpu.vector_load_idx %arg12[%gather3A_102] : memref<1024xf32, #tpu.memory_space<vmem>>[vector<16xi32>], vector<16xf32>,
      %max3A_162 = arith.maximumf %gather3A_161, %broadcast_in_dim3A_85 : vector<16xf32>
      %div3A_163 = arith.divf %gather3A_160, %max3A_162 : vector<16xf32>
      tpu.vector_store_idx %arg10[%add3A_89, %gather3A_102], %div3A_163 : memref<8x1024xf32, #tpu.memory_space<vmem>>[vector<16xi32>, vector<16xi32>], vector<16xf32>,
      %gather3A_164 = tpu.vector_load_idx %arg11[%gather3A_106] : memref<1024xf32, #tpu.memory_space<vmem>>[vector<16xi32>], vector<16xf32>,
      %gather3A_165 = tpu.vector_load_idx %arg12[%gather3A_106] : memref<1024xf32, #tpu.memory_space<vmem>>[vector<16xi32>], vector<16xf32>,
      %max3A_166 = arith.maximumf %gather3A_165, %broadcast_in_dim3A_85 : vector<16xf32>
      %div3A_167 = arith.divf %gather3A_164, %max3A_166 : vector<16xf32>
      tpu.vector_store_idx %arg10[%add3A_89, %gather3A_106], %div3A_167 : memref<8x1024xf32, #tpu.memory_space<vmem>>[vector<16xi32>, vector<16xi32>], vector<16xf32>,
      %gather3A_168 = tpu.vector_load_idx %arg11[%gather3A_110] : memref<1024xf32, #tpu.memory_space<vmem>>[vector<16xi32>], vector<16xf32>,
      %gather3A_169 = tpu.vector_load_idx %arg12[%gather3A_110] : memref<1024xf32, #tpu.memory_space<vmem>>[vector<16xi32>], vector<16xf32>,
      %max3A_170 = arith.maximumf %gather3A_169, %broadcast_in_dim3A_85 : vector<16xf32>
      %div3A_171 = arith.divf %gather3A_168, %max3A_170 : vector<16xf32>
      tpu.vector_store_idx %arg10[%add3A_89, %gather3A_110], %div3A_171 : memref<8x1024xf32, #tpu.memory_space<vmem>>[vector<16xi32>, vector<16xi32>], vector<16xf32>,
      %gather3A_172 = tpu.vector_load_idx %arg11[%gather3A_114] : memref<1024xf32, #tpu.memory_space<vmem>>[vector<16xi32>], vector<16xf32>,
      %gather3A_173 = tpu.vector_load_idx %arg12[%gather3A_114] : memref<1024xf32, #tpu.memory_space<vmem>>[vector<16xi32>], vector<16xf32>,
      %max3A_174 = arith.maximumf %gather3A_173, %broadcast_in_dim3A_85 : vector<16xf32>
      %div3A_175 = arith.divf %gather3A_172, %max3A_174 : vector<16xf32>
      tpu.vector_store_idx %arg10[%add3A_89, %gather3A_114], %div3A_175 : memref<8x1024xf32, #tpu.memory_space<vmem>>[vector<16xi32>, vector<16xi32>], vector<16xf32>,
      %gather3A_176 = tpu.vector_load_idx %arg11[%gather3A_118] : memref<1024xf32, #tpu.memory_space<vmem>>[vector<16xi32>], vector<16xf32>,
      %gather3A_177 = tpu.vector_load_idx %arg12[%gather3A_118] : memref<1024xf32, #tpu.memory_space<vmem>>[vector<16xi32>], vector<16xf32>,
      %max3A_178 = arith.maximumf %gather3A_177, %broadcast_in_dim3A_85 : vector<16xf32>
      %div3A_179 = arith.divf %gather3A_176, %max3A_178 : vector<16xf32>
      tpu.vector_store_idx %arg10[%add3A_89, %gather3A_118], %div3A_179 masked %lt3A_91 : memref<8x1024xf32, #tpu.memory_space<vmem>>[vector<16xi32>, vector<16xi32>], vector<16xf32>, vector<16xi1>
    }
    %scan3A_66 = arith.constant 8 : i32
    %dma_start3A_67 = arith.constant 0 : i32
    %dma_start3A_68 = tpu.memref_slice %arg4[%add3A_54, %dma_start3A_67] : memref<512x1024xf32, #tpu.memory_space<hbm>> -> memref<8x1024xf32, #tpu.memory_space<hbm>>
    %dma_start3A_69 = arith.constant 0 : i32
    %dma_start3A_70 = tpu.memref_slice %arg4[%add3A_54, %dma_start3A_69] : memref<512x1024xf32, #tpu.memory_space<hbm>> -> memref<8x1024xf32, #tpu.memory_space<hbm>>
    tpu.enqueue_dma source(%arg10 : memref<8x1024xf32, #tpu.memory_space<vmem>>) target(%dma_start3A_70 : memref<8x1024xf32, #tpu.memory_space<hbm>>) target_semaphore(%arg16 : memref<!tpu.dma_semaphore, #tpu.memory_space<semaphore_mem>>)
    %dma_wait3A_71 = arith.constant 0 : i32
    %dma_wait3A_72 = tpu.memref_slice %arg4[%mul3A_2, %dma_wait3A_71] : memref<512x1024xf32, #tpu.memory_space<hbm>> -> memref<8x1024xf32, #tpu.memory_space<hbm>>
    %dma_wait3A_73 = arith.constant 0 : i32
    %dma_wait3A_74 = tpu.memref_slice %arg4[%mul3A_2, %dma_wait3A_73] : memref<512x1024xf32, #tpu.memory_space<hbm>> -> memref<8x1024xf32, #tpu.memory_space<hbm>>
    tpu.wait_dma2 semaphore(%arg15 : memref<!tpu.dma_semaphore, #tpu.memory_space<semaphore_mem>>) src(%arg9 : memref<8x1024xf32, #tpu.memory_space<vmem>>) dst(%dma_wait3A_74 : memref<8x1024xf32, #tpu.memory_space<hbm>>)
    %dma_wait3A_75 = arith.constant 0 : i32
    %dma_wait3A_76 = tpu.memref_slice %arg4[%mul3A_2, %dma_wait3A_75] : memref<512x1024xf32, #tpu.memory_space<hbm>> -> memref<8x1024xf32, #tpu.memory_space<hbm>>
    %dma_wait3A_77 = arith.constant 0 : i32
    %dma_wait3A_78 = tpu.memref_slice %arg4[%mul3A_2, %dma_wait3A_77] : memref<512x1024xf32, #tpu.memory_space<hbm>> -> memref<8x1024xf32, #tpu.memory_space<hbm>>
    tpu.wait_dma2 semaphore(%arg16 : memref<!tpu.dma_semaphore, #tpu.memory_space<semaphore_mem>>) src(%arg10 : memref<8x1024xf32, #tpu.memory_space<vmem>>) dst(%dma_wait3A_78 : memref<8x1024xf32, #tpu.memory_space<hbm>>)
    return
  }
}

module attributes {stable_mosaic.version = 14 : i64} {
  func.func @_proj_body(%arg0: i32, %arg1: memref<64x30x1000xf32, #tpu.memory_space<vmem>>, %arg2: memref<30x2xf32, #tpu.memory_space<vmem>>, %arg3: memref<1x1000xf32, #tpu.memory_space<vmem>>, %arg4: memref<2xf32, #tpu.memory_space<smem>>, %arg5: memref<64x1024xf32, #tpu.memory_space<vmem>>, %arg6: memref<64x1024xbf16, #tpu.memory_space<vmem>>) attributes {dimension_semantics = [#tpu.dimension_semantics<arbitrary>], iteration_bounds = array<i64: 8>, scalar_prefetch = 0 : i64, scratch_operands = 0 : i64, tpu.core_type = #tpu.core_type<tc>, window_params = [{transform_indices = @transform_0, window_bounds = array<i64: 64, 30, 1000>}, {pipeline_mode = #tpu.pipeline_mode<synchronous>, transform_indices = @transform_1, window_bounds = array<i64: 30, 2>}, {pipeline_mode = #tpu.pipeline_mode<synchronous>, transform_indices = @transform_2, window_bounds = array<i64: 1, 1000>}, {transform_indices = @transform_3, window_bounds = array<i64: 2>}, {transform_indices = @transform_4, window_bounds = array<i64: 64, 1024>}, {transform_indices = @transform_5, window_bounds = array<i64: 64, 1024>}]} {
    %get3A = arith.constant 0 : index
    %get3A_0 = arith.constant 0 : index
    %get3A_1 = arith.constant 0 : index
    %get3A_2 = vector.load %arg1[%get3A, %get3A_0, %get3A_1] : memref<64x30x1000xf32, #tpu.memory_space<vmem>>, vector<64x30x1000xf32>
    %get3A_3 = arith.constant 0 : index
    %get3A_4 = arith.constant 0 : index
    %get3A_5 = vector.load %arg2[%get3A_3, %get3A_4] : memref<30x2xf32, #tpu.memory_space<vmem>>, vector<30x2xf32>
    %slice3A = vector.extract_strided_slice %get3A_5 {offsets = [0, 0], sizes = [30, 1], strides = [1, 1]} : vector<30x2xf32> to vector<30x1xf32>
    %squeeze3A = vector.shape_cast %slice3A : vector<30x1xf32> to vector<30xf32>
    %reshape3A = vector.shape_cast %squeeze3A : vector<30xf32> to vector<1x30x1xf32>
    %slice3A_6 = vector.extract_strided_slice %get3A_5 {offsets = [0, 1], sizes = [30, 1], strides = [1, 1]} : vector<30x2xf32> to vector<30x1xf32>
    %squeeze3A_7 = vector.shape_cast %slice3A_6 : vector<30x1xf32> to vector<30xf32>
    %reshape3A_8 = vector.shape_cast %squeeze3A_7 : vector<30xf32> to vector<1x30x1xf32>
    %mul3A = vector.broadcast %reshape3A : vector<1x30x1xf32> to vector<64x30x1000xf32>
    %mul3A_9 = arith.mulf %get3A_2, %mul3A : vector<64x30x1000xf32>
    %reduce_sum3A = arith.constant dense<0.000000e+00> : vector<64x1000xf32>
    %reduce_sum3A_10 = vector.multi_reduction <add>, %mul3A_9, %reduce_sum3A [1] : vector<64x30x1000xf32> to vector<64x1000xf32>
    %mul3A_11 = vector.broadcast %reshape3A_8 : vector<1x30x1xf32> to vector<64x30x1000xf32>
    %mul3A_12 = arith.mulf %get3A_2, %mul3A_11 : vector<64x30x1000xf32>
    %reduce_sum3A_13 = arith.constant dense<0.000000e+00> : vector<64x1000xf32>
    %reduce_sum3A_14 = vector.multi_reduction <add>, %mul3A_12, %reduce_sum3A_13 [1] : vector<64x30x1000xf32> to vector<64x1000xf32>
    %get3A_15 = arith.constant 0 : index
    %get3A_16 = memref.load %arg4[%get3A_15] : memref<2xf32, #tpu.memory_space<smem>>
    %get3A_17 = arith.constant 1 : index
    %get3A_18 = memref.load %arg4[%get3A_17] : memref<2xf32, #tpu.memory_space<smem>>
    %mul3A_19 = vector.broadcast %get3A_16 : f32 to vector<64x1000xf32>
    %mul3A_20 = arith.mulf %mul3A_19, %reduce_sum3A_10 : vector<64x1000xf32>
    %mul3A_21 = vector.broadcast %get3A_16 : f32 to vector<64x1000xf32>
    %mul3A_22 = arith.mulf %mul3A_21, %reduce_sum3A_14 : vector<64x1000xf32>
    %get3A_23 = arith.constant 0 : index
    %get3A_24 = arith.constant 0 : index
    %get3A_25 = vector.load %arg3[%get3A_23, %get3A_24] : memref<1x1000xf32, #tpu.memory_space<vmem>>, vector<1x1000xf32>
    %mul3A_26 = vector.broadcast %get3A_18 : f32 to vector<1x1000xf32>
    %mul3A_27 = arith.mulf %mul3A_26, %get3A_25 : vector<1x1000xf32>
    %add3A = vector.broadcast %mul3A_27 : vector<1x1000xf32> to vector<64x1000xf32>
    %add3A_28 = arith.addf %mul3A_22, %add3A : vector<64x1000xf32>
    %broadcast_in_dim3A = arith.constant 0.000000e+00 : f32
    %broadcast_in_dim3A_29 = vector.broadcast %broadcast_in_dim3A : f32 to vector<64x24xf32>
    %concatenate3A = tpu.concatenate %mul3A_20, %broadcast_in_dim3A_29 in 1 : vector<64x1000xf32>, vector<64x24xf32> -> vector<64x1024xf32>
    %swap3A = arith.constant 0 : index
    %swap3A_30 = arith.constant 0 : index
    %swap3A_31 = vector.load %arg5[%swap3A, %swap3A_30] : memref<64x1024xf32, #tpu.memory_space<vmem>>, vector<64x1024xf32>
    tpu.vector_store %arg5[%swap3A, %swap3A_30], %concatenate3A {strides = array<i32>} : memref<64x1024xf32, #tpu.memory_space<vmem>>, vector<64x1024xf32>,
    %concatenate3A_32 = tpu.concatenate %add3A_28, %broadcast_in_dim3A_29 in 1 : vector<64x1000xf32>, vector<64x24xf32> -> vector<64x1024xf32>
    %convert_element_type3A = arith.truncf %concatenate3A_32 : vector<64x1024xf32> to vector<64x1024xbf16>
    %swap3A_33 = arith.constant 0 : index
    %swap3A_34 = arith.constant 0 : index
    %swap3A_35 = vector.load %arg6[%swap3A_33, %swap3A_34] : memref<64x1024xbf16, #tpu.memory_space<vmem>>, vector<64x1024xbf16>
    tpu.vector_store %arg6[%swap3A_33, %swap3A_34], %convert_element_type3A {strides = array<i32>} : memref<64x1024xbf16, #tpu.memory_space<vmem>>, vector<64x1024xbf16>,
    return
  }
  func.func @transform_0(%arg0: i32) -> (i32, i32, i32) {
    %c0_i32 = arith.constant 0 : i32
    %c0_i32_0 = arith.constant 0 : i32
    %c0_i32_1 = arith.constant 0 : i32
    return %arg0, %c0_i32, %c0_i32_0 : i32, i32, i32
  }
  func.func @transform_1(%arg0: i32) -> (i32, i32) {
    %c0_i32 = arith.constant 0 : i32
    %c0_i32_0 = arith.constant 0 : i32
    %c0_i32_1 = arith.constant 0 : i32
    return %c0_i32, %c0_i32_0 : i32, i32
  }
  func.func @transform_2(%arg0: i32) -> (i32, i32) {
    %c0_i32 = arith.constant 0 : i32
    %c0_i32_0 = arith.constant 0 : i32
    %c0_i32_1 = arith.constant 0 : i32
    return %c0_i32, %c0_i32_0 : i32, i32
  }
  func.func @transform_3(%arg0: i32) -> i32 {
    %c0_i32 = arith.constant 0 : i32
    %c0_i32_0 = arith.constant 0 : i32
    return %c0_i32 : i32
  }
  func.func @transform_4(%arg0: i32) -> (i32, i32) {
    %c0_i32 = arith.constant 0 : i32
    %c0_i32_0 = arith.constant 0 : i32
    return %arg0, %c0_i32 : i32, i32
  }
  func.func @transform_5(%arg0: i32) -> (i32, i32) {
    %c0_i32 = arith.constant 0 : i32
    %c0_i32_0 = arith.constant 0 : i32
    return %arg0, %c0_i32 : i32, i32
  }
}

module attributes {stable_mosaic.version = 14 : i64} {
  func.func @_logits_body(%arg0: i32, %arg1: memref<128x1024xf32, #tpu.memory_space<vmem>>, %arg2: memref<128x1024xbf16, #tpu.memory_space<vmem>>, %arg3: memref<128x1000xi32, #tpu.memory_space<vmem>>, %arg4: memref<128x1000xf32, #tpu.memory_space<vmem>>) attributes {dimension_semantics = [#tpu.dimension_semantics<arbitrary>], iteration_bounds = array<i64: 4>, scalar_prefetch = 0 : i64, scratch_operands = 0 : i64, tpu.core_type = #tpu.core_type<tc>, window_params = [{transform_indices = @transform_0, window_bounds = array<i64: 128, 1024>}, {transform_indices = @transform_1, window_bounds = array<i64: 128, 1024>}, {transform_indices = @transform_2, window_bounds = array<i64: 128, 1000>}, {transform_indices = @transform_3, window_bounds = array<i64: 128, 1000>}]} {
    %get3A = arith.constant 0 : index
    %get3A_0 = arith.constant 0 : index
    %get3A_1 = vector.load %arg1[%get3A, %get3A_0] : memref<128x1024xf32, #tpu.memory_space<vmem>>, vector<128x1024xf32>
    %slice3A = vector.extract_strided_slice %get3A_1 {offsets = [0, 0], sizes = [128, 1000], strides = [1, 1]} : vector<128x1024xf32> to vector<128x1000xf32>
    %get3A_2 = arith.constant 0 : index
    %get3A_3 = arith.constant 0 : index
    %get3A_4 = vector.load %arg2[%get3A_2, %get3A_3] : memref<128x1024xbf16, #tpu.memory_space<vmem>>, vector<128x1024xbf16>
    %slice3A_5 = vector.extract_strided_slice %get3A_4 {offsets = [0, 0], sizes = [128, 1000], strides = [1, 1]} : vector<128x1024xbf16> to vector<128x1000xbf16>
    %convert_element_type3A = arith.extf %slice3A_5 : vector<128x1000xbf16> to vector<128x1000xf32>
    %add3A = arith.addf %slice3A, %convert_element_type3A : vector<128x1000xf32>
    %reduce_max3A = arith.constant dense<0xFF800000> : vector<128xf32>
    %reduce_max3A_6 = vector.multi_reduction <maximumf>, %add3A, %reduce_max3A [1] : vector<128x1000xf32> to vector<128xf32>
    %broadcast_in_dim3A = vector.shape_cast %reduce_max3A_6 : vector<128xf32> to vector<128x1xf32>
    %sub3A = vector.broadcast %broadcast_in_dim3A : vector<128x1xf32> to vector<128x1000xf32>
    %sub3A_7 = arith.subf %add3A, %sub3A : vector<128x1000xf32>
    %exp3A = math.exp %sub3A_7 : vector<128x1000xf32>
    %reduce_sum3A = arith.constant dense<0.000000e+00> : vector<128xf32>
    %reduce_sum3A_8 = vector.multi_reduction <add>, %exp3A, %reduce_sum3A [1] : vector<128x1000xf32> to vector<128xf32>
    %broadcast_in_dim3A_9 = vector.shape_cast %reduce_sum3A_8 : vector<128xf32> to vector<128x1xf32>
    %log3A = math.log %broadcast_in_dim3A_9 : vector<128x1xf32>
    %add3A_10 = arith.addf %log3A, %broadcast_in_dim3A : vector<128x1xf32>
    %sub3A_11 = vector.broadcast %add3A_10 : vector<128x1xf32> to vector<128x1000xf32>
    %sub3A_12 = arith.subf %add3A, %sub3A_11 : vector<128x1000xf32>
    %get3A_13 = arith.constant 0 : index
    %get3A_14 = arith.constant 0 : index
    %get3A_15 = vector.load %arg3[%get3A_13, %get3A_14] : memref<128x1000xi32, #tpu.memory_space<vmem>>, vector<128x1000xi32>
    %ne3A = arith.constant 0 : i32
    %ne3A_16 = vector.broadcast %ne3A : i32 to vector<128x1000xi32>
    %ne3A_17 = arith.cmpi ne, %get3A_15, %ne3A_16 : vector<128x1000xi32>
    %jit3A = arith.constant -1.000000e+08 : f32
    %broadcast_in_dim3A_18 = vector.broadcast %jit3A : f32 to vector<128x1000xf32>
    %select_n3A = arith.select %ne3A_17, %broadcast_in_dim3A_18, %sub3A_12 : vector<128x1000xi1>, vector<128x1000xf32>
    %swap3A = arith.constant 0 : index
    %swap3A_19 = arith.constant 0 : index
    %swap3A_20 = vector.load %arg4[%swap3A, %swap3A_19] : memref<128x1000xf32, #tpu.memory_space<vmem>>, vector<128x1000xf32>
    tpu.vector_store %arg4[%swap3A, %swap3A_19], %select_n3A {strides = array<i32>} : memref<128x1000xf32, #tpu.memory_space<vmem>>, vector<128x1000xf32>,
    return
  }
  func.func @transform_0(%arg0: i32) -> (i32, i32) {
    %c0_i32 = arith.constant 0 : i32
    %c0_i32_0 = arith.constant 0 : i32
    return %arg0, %c0_i32 : i32, i32
  }
  func.func @transform_1(%arg0: i32) -> (i32, i32) {
    %c0_i32 = arith.constant 0 : i32
    %c0_i32_0 = arith.constant 0 : i32
    return %arg0, %c0_i32 : i32, i32
  }
  func.func @transform_2(%arg0: i32) -> (i32, i32) {
    %c0_i32 = arith.constant 0 : i32
    %c0_i32_0 = arith.constant 0 : i32
    return %arg0, %c0_i32 : i32, i32
  }
  func.func @transform_3(%arg0: i32) -> (i32, i32) {
    %c0_i32 = arith.constant 0 : i32
    %c0_i32_0 = arith.constant 0 : i32
    return %arg0, %c0_i32 : i32, i32
  }
}

</mosaic_0001>

<sc_bundles>
// kernel: kernel.5.cloned.1.call-start
scs
__scs_entry_jumppad:
0x0: {  	(pc) =	sbr.rel $0x88, $3  }
0x1: {  	(tag) =	ssettag $0x0;
	lr =	simm.s32 $0x1  }
0x2: {  	[smem:$0x3F9A] =	sst lr;
	_ =	strace $0xD0000000  }
0x3: {  	_ = 	snop  }
0x4: {  	_ = 	snop  }
0x5: {  	_ = 	snop  }
0x6: {  	_ = 	snop  }
0x7: {  	_ = 	snop  }
__scs_overlays_trampoline_lowered:
0x8: {  	[smem:$0x3FA9] =	sst s0  }
0x9: {  	[smem:$0x3FAA] =	sst s1  }
0xa: {  	[smem:$0x3FAB] =	sst s2  }
0xb: {  	[smem:$0x3FAC] =	sst s3  }
0xc: {  	[smem:$0x3FAD] =	sst s4  }
0xd: {  	[smem:$0x3FAE] =	sst s5  }
0xe: {  	[smem:$0x3FAF] =	sst s6  }
0xf: {  	[smem:$0x3FB0] =	sst s7  }
0x10: {  	[smem:$0x3FB1] =	sst s8  }
0x11: {  	[smem:$0x3FB2] =	sst s9;
	s0 =	simm.s32 @!p0 $0x0  }
0x12: {  	s1 =	sld [smem:$0x3F98];
	s0 =	simm.s32 @p0 $0x1  }
0x13: {  	[smem:$0x3FB3] =	sst s0;
	s0 =	simm.s32 @!p1 $0x0  }
0x14: {  	s2 =	sld [smem:$0x3F97];
	s0 =	simm.s32 @p1 $0x1  }
0x15: {  	[smem:$0x3FB4] =	sst s0;
	s0 =	simm.s32 @!p2 $0x0  }
0x16: {  	s3 =	sld [smem:$0x3FDB];
	s0 =	simm.s32 @p2 $0x1  }
0x17: {  	s4 =	simm.s32 $0x1BF5;
	[smem:$0x3FB6] =	sst s0  }
0x18: {  	s0 =	sld [smem:$0x3F99];
	_ =	swait.ge [sflag:s4], $0x0  }
0x19: {  	s7 =	sld [smem:$0x3F9A]  }
0x1a: {  	s8 =	sadd.s32 $0xFFFFE003, lr  }
0x1b: {  	s9 =	sadd.s32 $0xFFFFFEF7, lr;
	s5 =	simm.s32 $0xFFFFFFFF;
	p2 =	slt.u32 s8, $0xFFFFF086  }
0x1c: {  	p1 =	slt.u32 s9, $0xF7A;
	s5 =	simm.s32 @!p2 $0x0  }
0x1d: {  	s5 =	simm.s32 @p1 $0x1;
	p0 =	seq.s32 s7, s2  }
0x1e: {  	s7 =	smul.u32 @!p0 $0xF7A, s2;
	p2 =	seq.s32 @!p0 s5, $0x0  }
0x1f: {  	s9 =	smul.u32 $0xF7A, s1;
	s8 =	simm.s32 @!p0 $0x1BF5;
	p2 =	por !p2, p0  }
0x20: {  	[sflag:s8] =	ssyncset.s32 @!p0 $0xFFFFF086;
	s6 =	sadd.s32 @!p0 s3, s7;
	s7 =	simm.s32 @!p0 $0x108  }
0x21: {  	s3 =	sadd.s32 s3, s9;
	s6 =	sadd.s32 @!p0 $0x88, s6;
	s7 =	simm.s32 @p2 $0x1082  }
0x22: {  	[simem:s7], [sflag:s8] =	dma.local @!p0 [hbm:s6], $0xF7A  }
0x23: {  	s9 =	sor.u32 $0xD0000000, s2;
	s6 =	simm.s32 $0x108;
	_ =	swait.ge @!p0 [sflag:s8], $0x0  }
0x24: {  	s3 =	sadd.s32 $0x88, s3;
	s6 =	simm.s32 @!p1 $0x1082;
	[sflag:s4] =	ssyncset.s32 $0xFFFFF086  }
0x25: {  	[simem:s6], [sflag:s4] =	dma.local [hbm:s3], $0xF7A  }
0x26: {  	[smem:$0x3F9A] =	sst s1;
	(tag) =	ssettag s2;
	_ =	strace s9  }
0x27: {  	s1 =	sld [smem:$0x3FAA]  }
0x28: {  	s2 =	sld [smem:$0x3FAB]  }
0x29: {  	s4 =	sld [smem:$0x3FAD]  }
0x2a: {  	p0 =	seq.s32 s5, $0x0;
	s5 =	sld [smem:$0x3FAE]  }
0x2b: {  	s6 =	sld [smem:$0x3FAF]  }
0x2c: {  	s7 =	sld [smem:$0x3FB0]  }
0x2d: {  	s3 =	simm.s32 $0x108;
	s8 =	sld [smem:$0x3FB1]  }
0x2e: {  	s3 =	simm.s32 @!p0 $0x1082;
	s9 =	sld [smem:$0x3FB2]  }
0x2f: {  	lr =	sadd.s32 s0, s3;
	s0 =	sld [smem:$0x3FA9]  }
0x30: {  	s3 =	sld [smem:$0x3FAC]  }
0x31: {  	[smem:$0x3FB5] =	sst s10  }
0x32: {  	s10 =	sld [smem:$0x3FB3];
	_ =	sdelay $0x3  }
0x33: {  	p0 =	seq.s32 s10, $0x1;
	s10 =	sld [smem:$0x3FB5];
	_ =	sdelay $0x3  }
0x34: {  	[smem:$0x3FB5] =	sst s10  }
0x35: {  	s10 =	sld [smem:$0x3FB4];
	_ =	sdelay $0x3  }
0x36: {  	p1 =	seq.s32 s10, $0x1;
	s10 =	sld [smem:$0x3FB5];
	_ =	sdelay $0x3  }
0x37: {  	[smem:$0x3FB5] =	sst s10  }
0x38: {  	s10 =	sld [smem:$0x3FB6]  }
0x39: {  	_ = 	snop;
	(pc) =	sbr.ind lr, $3  }
0x3a: {  	_ = 	snop  }
0x3b: {  	_ = 	snop  }
0x3c: {  	p2 =	seq.s32 s10, $0x1;
	s10 =	sld [smem:$0x3FB5]  }
0x3d: {  	_ =	shalt  }
0x3e: {  	_ =	shalt  }
0x3f: {  	_ =	shalt  }
0x40: {  	_ =	shalt  }
0x41: {  	_ =	shalt  }
0x42: {  	_ =	shalt  }
0x43: {  	_ =	shalt  }
0x44: {  	_ =	shalt  }
0x45: {  	_ =	shalt  }
0x46: {  	_ =	shalt  }
0x47: {  	_ =	shalt  }
0x48: {  	_ =	shalt  }
0x49: {  	_ =	shalt  }
0x4a: {  	_ =	shalt  }
0x4b: {  	_ =	shalt  }
0x4c: {  	_ =	shalt  }
0x4d: {  	_ =	shalt  }
0x4e: {  	_ =	shalt  }
0x4f: {  	_ =	shalt  }
0x50: {  	_ =	shalt  }
0x51: {  	_ =	shalt  }
0x52: {  	_ =	shalt  }
0x53: {  	_ =	shalt  }
0x54: {  	_ =	shalt  }
0x55: {  	_ =	shalt  }
0x56: {  	_ =	shalt  }
0x57: {  	_ =	shalt  }
0x58: {  	_ =	shalt  }
0x59: {  	_ =	shalt  }
0x5a: {  	_ =	shalt  }
0x5b: {  	_ =	shalt  }
0x5c: {  	_ =	shalt  }
0x5d: {  	_ =	shalt  }
0x5e: {  	_ =	shalt  }
0x5f: {  	_ =	shalt  }
0x60: {  	_ =	shalt  }
0x61: {  	_ =	shalt  }
0x62: {  	_ =	shalt  }
0x63: {  	_ =	shalt  }
0x64: {  	_ =	shalt  }
0x65: {  	_ =	shalt  }
0x66: {  	_ =	shalt  }
0x67: {  	_ =	shalt  }
0x68: {  	_ =	shalt  }
0x69: {  	_ =	shalt  }
0x6a: {  	_ =	shalt  }
0x6b: {  	_ =	shalt  }
0x6c: {  	_ =	shalt  }
0x6d: {  	_ =	shalt  }
0x6e: {  	_ =	shalt  }
0x6f: {  	_ =	shalt  }
0x70: {  	_ =	shalt  }
0x71: {  	_ =	shalt  }
0x72: {  	_ =	shalt  }
0x73: {  	_ =	shalt  }
0x74: {  	_ =	shalt  }
0x75: {  	_ =	shalt  }
0x76: {  	_ =	shalt  }
0x77: {  	_ =	shalt  }
0x78: {  	_ =	shalt  }
0x79: {  	_ =	shalt  }
0x7a: {  	_ =	shalt  }
0x7b: {  	_ =	shalt  }
0x7c: {  	_ =	shalt  }
0x7d: {  	_ =	shalt  }
0x7e: {  	_ =	shalt  }
0x7f: {  	_ =	shalt  }
0x80: {  	_ =	shalt  }
0x81: {  	_ =	shalt  }
0x82: {  	_ =	shalt  }
0x83: {  	_ =	shalt  }
0x84: {  	_ =	shalt  }
0x85: {  	_ =	shalt  }
0x86: {  	_ =	shalt  }
0x87: {  	_ =	shalt  }
.Lfunc_end0:
.L_simem_size_0:
called_computation_lowered:
.L_overlay_start_0:
0x88: {  	s2 =	sld [smem:$0x3FD9]  }
0x89: {  	s3 =	sld [smem:$0x3FFE];
	_ =	sdelay $0x1  }
0x8a: {  	s1 =	srdreg.scid  }
0x8b: {  	s0 =	sand.u32 $0x1, s1  }
0x8c: {  	s17 =	sshll.u32 s0, $0xA;
	s2 =	sadd.s32 s3, s2  }
0x8d: {  	s2 =	sadd.s32 s2, s17  }
0x8e: {  	[smem:$0x3FC1] =	sst s2  }
0x8f: {  	_ = 	snop  }
0x90: {  	s2 =	sld [smem:$0x3FD0];
	(tm) =	ssettm $0x1  }
0x91: {  	s18 =	sld [smem:$0x3FFB];
	_ =	sdelay $0x3  }
0x92: {  	_ =	strace s18  }
0x93: {  	s3 =	sld [smem:$0x3FFC];
	_ =	sdelay $0x3  }
0x94: {  	_ =	strace s3  }
0x95: {  	s3 =	sld [smem:$0x3FFD];
	_ =	sdelay $0x3  }
0x96: {  	_ =	strace s3  }
0x97: {  	_ =	strace $0x8FFFFFFF  }
0x98: {  	s19 =	sld [smem:$0x3FDB];
	_ =	sdelay $0x1  }
0x99: {  	s4 =	simm.s32 $_scs_section_size  }
0x9a: {  	s5 =	simm.s32 $_size__tile_overlayer_lowered;
	s6 =	simm.s32 $_tile_overlayer_lowered  }
0x9b: {  	s22 =	simm.s32 $0x1BFF;
	s21 =	sshll.u32 s6, $0x1;
	s3 =	sadd.s32 s4, s19  }
0x9c: {  	s7 =	simm.s32 $0x0;
	s20 =	sshll.u32 s5, $0x1;
	s5 =	sadd.s32 s21, s3  }
0x9d: {  	[timem:s7], [sflag:s22] =	dma.local [hbm:s5], s20  }
0x9e: {  	_ =	swait.ge [sflag:s22], s20  }
0x9f: {  	s4 =	ssub.s32 $0x0, s20;
	[sflag:s22] =	ssyncset.done $0x0  }
0xa0: {  	[sflag:s22] =	ssyncadd.s32 s4;
	_ =	sdelay $0x1  }
0xa1: {  	s23 =	simm.s32 $0x1B8B  }
0xa2: {  	_ =	swait.ge [sflag:s23], $0x1  }
0xa3: {  	[sflag:s23] =	ssyncset.done $0x0  }
0xa4: {  	s25 =	simm.s32 $0x1B8E;
	s24 =	sld [smem:$0x3FFE];
	[sflag:s23] =	ssyncadd.s32 $0xFFFFFFFF  }
0xa5: {  	s26 =	simm.s32 $execute0_lowered;
	[smem:$0x3FD2] =	sst s25  }
0xa6: {  	s5 =	sshll.u32 s26, $0x1;
	_ =	strace $0x80000046;
	[dreg:$0x1] =	wrdreg $0xFFFFFFFF  }
0xa7: {  	s28 =	simm.s32 $_size_execute0_lowered;
	s3 =	sadd.s32 s3, s5;
	[dreg:$0x0] =	wrdreg $0x0  }
0xa8: {  	s5 =	sshll.u32 s28, $0x1;
	[dreg:$0x2] =	wrdreg s3  }
0xa9: {  	[dreg:$0x3] =	wrdreg s5  }
0xaa: {  	[dreg:$0x4] =	wrdreg $0xC0  }
0xab: {  	_ =	task [dreg:s7], $0x5FFFF  }
0xac: {  	[dreg:$0x1] =	wrdreg $0xFFFFFFFF  }
0xad: {  	[dreg:$0x0] =	wrdreg $0x60  }
0xae: {  	[dreg:$0x2] =	wrdreg s2  }
0xaf: {  	[dreg:$0x3] =	wrdreg s24  }
0xb0: {  	[dreg:$0x4] =	wrdreg $0x9  }
0xb1: {  	_ =	task.clear_ibuf [dreg:s7], $0x5FFFF;
	_ =	strace $0x90000046  }
0xb2: {  	s29 =	simm.s32 $0x9;
	_ =	strace $0x80000048  }
0xb3: {  	_ =	swait.ge [sflag:s29], $0x1  }
0xb4: {  	[sflag:s29] =	ssyncadd.s32 $0xFFFFFFFF  }
0xb5: {  	_ =	strace $0x90000048  }
0xb6: {  	_ =	sfence  }
0xb7: {  	s30 =	sld [smem:$0x0];
	_ =	sdelay $0x2  }
0xb8: {  	s31 =	sshll.u32 s1, $0xD;
	s1 =	sshrl.u32 s1, $0x2  }
0xb9: {  	s3 =	sand.u32 $0x4000, s31;
	s1 =	sadd.s32 s1, s30  }
0xba: {  	s0 =	sor.u32 s3, s0;
	s1 =	sshll.u32 s1, $0x11  }
0xbb: {  	s0 =	sor.u32 s1, s0  }
0xbc: {  	s0 =	sadd.s32 $0x8F2B, s0  }
0xbd: {  	[sflag:s0] =	ssyncadd.remote.s32 $0x1  }
0xbe: {  	_ =	sfence.sel $0xFFFF  }
0xbf: {  	[dreg:$0x0] =	wrdreg $0xFFFFFFFF;
	(pc) =	sbr.abs _section_cstart, $3  }
0xc0: {  	[dreg:$0x1] =	wrdreg $0xFFFFFFFF  }
0xc1: {  	_ =	task.clear_ibuf [dreg:s7], $0x2FFFF;
	_ =	strace $0x9FFFFFFF  }
0xc2: {  	(tm) =	ssettm $0x7FFFFFFF  }
0xc3: {  	_ =	shalt  }
tec
execute0_lowered:
.L_overlay_start_1:
0x0: {  	(tag) =	ssettag $0x1  }
0x1: {  	v17 =	vlaneseq.u32  }
0x2: {  	s5 =	rddreg [dreg:$0x0];
	v0 =	vor.u32 $0x50, v17  }
0x3: {  	s3 =	rddreg [dreg:$0x1];
	s1 =	simm.s32 $0x0;
	[tilespmem:$0x1FC20] =	vst v0;
	v0 =	vor.u32 $0x60, v17  }
0x4: {  	[smem:$0x7FF] =	sst s1;
	[tilespmem:$0x1FC30] =	vst v0;
	v0 =	vor.u32 $0x1C30, v17  }
0x5: {  	s0 =	rddreg [dreg:$0x2];
	v13 =	vor.u32 $0x70, v17;
	_ =	strace $0x80000047;
	[tilespmem:$0x1FC40] =	vst v0  }
0x6: {  	v14 =	vor.u32 $0x400, v17;
	[tilespmem:$0x1FC80] =	vst v13  }
0x7: {  	v15 =	vor.u32 $0x410, v17;
	[tilespmem:$0x1FC90] =	vst v14  }
0x8: {  	v16 =	vor.u32 $0x420, v17;
	[tilespmem:$0x1FCA0] =	vst v15  }
0x9: {  	v18 =	vor.u32 $0x430, v17;
	[tilespmem:$0x1FCB0] =	vst v16  }
0xa: {  	v19 =	vor.u32 $0x440, v17;
	[tilespmem:$0x1FCC0] =	vst v18  }
0xb: {  	v20 =	vor.u32 $0x450, v17;
	[tilespmem:$0x1FCD0] =	vst v19  }
0xc: {  	v21 =	vor.u32 $0x460, v17;
	[tilespmem:$0x1FCE0] =	vst v20  }
0xd: {  	v22 =	vor.u32 $0x470, v17;
	[tilespmem:$0x1FCF0] =	vst v21  }
0xe: {  	v23 =	vor.u32 $0x800, v17;
	[tilespmem:$0x1FD00] =	vst v22  }
0xf: {  	v24 =	vor.u32 $0x810, v17;
	[tilespmem:$0x1FD10] =	vst v23  }
0x10: {  	v25 =	vor.u32 $0x820, v17;
	[tilespmem:$0x1FD20] =	vst v24  }
0x11: {  	v30 =	vor.u32 $0x830, v17;
	[tilespmem:$0x1FD30] =	vst v25  }
0x12: {  	v2 =	vor.u32 $0x840, v17;
	[tilespmem:$0x1FD40] =	vst v30  }
0x13: {  	v3 =	vor.u32 $0x850, v17;
	[tilespmem:$0x1FD50] =	vst v2  }
0x14: {  	v7 =	vor.u32 $0x860, v17;
	[tilespmem:$0x1FD60] =	vst v3  }
0x15: {  	v34 =	vor.u32 $0x870, v17;
	[tilespmem:$0x1FD70] =	vst v7  }
0x16: {  	v35 =	vor.u32 $0xC00, v17;
	[tilespmem:$0x1FD80] =	vst v34  }
0x17: {  	v36 =	vor.u32 $0xC10, v17;
	[tilespmem:$0x1FD90] =	vst v35  }
0x18: {  	v37 =	vor.u32 $0xC20, v17;
	[tilespmem:$0x1FDA0] =	vst v36  }
0x19: {  	v38 =	vor.u32 $0xC30, v17;
	[tilespmem:$0x1FDB0] =	vst v37  }
0x1a: {  	v39 =	vor.u32 $0xC40, v17;
	[tilespmem:$0x1FDC0] =	vst v38  }
0x1b: {  	v40 =	vor.u32 $0xC50, v17;
	[tilespmem:$0x1FDD0] =	vst v39  }
0x1c: {  	v41 =	vor.u32 $0xC60, v17;
	[tilespmem:$0x1FDE0] =	vst v40  }
0x1d: {  	v42 =	vor.u32 $0xC70, v17;
	[tilespmem:$0x1FDF0] =	vst v41  }
0x1e: {  	v43 =	vor.u32 $0x1000, v17;
	[tilespmem:$0x1FE00] =	vst v42  }
0x1f: {  	v44 =	vor.u32 $0x1010, v17;
	[tilespmem:$0x1FE10] =	vst v43  }
0x20: {  	v45 =	vor.u32 $0x1020, v17;
	[tilespmem:$0x1FE20] =	vst v44  }
0x21: {  	v46 =	vor.u32 $0x1030, v17;
	[tilespmem:$0x1FE30] =	vst v45  }
0x22: {  	v47 =	vor.u32 $0x1040, v17;
	[tilespmem:$0x1FE40] =	vst v46  }
0x23: {  	v48 =	vor.u32 $0x1050, v17;
	[tilespmem:$0x1FE50] =	vst v47  }
0x24: {  	v49 =	vor.u32 $0x1060, v17;
	[tilespmem:$0x1FE60] =	vst v48  }
0x25: {  	v50 =	vor.u32 $0x1070, v17;
	[tilespmem:$0x1FE70] =	vst v49  }
0x26: {  	v51 =	vor.u32 $0x1400, v17;
	[tilespmem:$0x1FE80] =	vst v50  }
0x27: {  	v52 =	vor.u32 $0x1410, v17;
	[tilespmem:$0x1FE90] =	vst v51  }
0x28: {  	v53 =	vor.u32 $0x1420, v17;
	[tilespmem:$0x1FEA0] =	vst v52  }
0x29: {  	v54 =	vor.u32 $0x1430, v17;
	[tilespmem:$0x1FEB0] =	vst v53  }
0x2a: {  	v55 =	vor.u32 $0x1440, v17;
	[tilespmem:$0x1FEC0] =	vst v54  }
0x2b: {  	v56 =	vor.u32 $0x1450, v17;
	[tilespmem:$0x1FED0] =	vst v55  }
0x2c: {  	v57 =	vor.u32 $0x1460, v17;
	[tilespmem:$0x1FEE0] =	vst v56  }
0x2d: {  	v58 =	vor.u32 $0x1470, v17;
	[tilespmem:$0x1FEF0] =	vst v57  }
0x2e: {  	v59 =	vor.u32 $0x1800, v17;
	[tilespmem:$0x1FF00] =	vst v58  }
0x2f: {  	v60 =	vor.u32 $0x1810, v17;
	[tilespmem:$0x1FF10] =	vst v59  }
0x30: {  	v61 =	vor.u32 $0x1820, v17;
	[tilespmem:$0x1FF20] =	vst v60  }
0x31: {  	v62 =	vor.u32 $0x1830, v17;
	[tilespmem:$0x1FF30] =	vst v61  }
0x32: {  	v63 =	vor.u32 $0x1840, v17;
	[tilespmem:$0x1FF40] =	vst v62  }
0x33: {  	v32 =	vor.u32 $0x1850, v17;
	[tilespmem:$0x1FF50] =	vst v63  }
0x34: {  	v33 =	vor.u32 $0x1860, v17;
	[tilespmem:$0x1FF60] =	vst v32  }
0x35: {  	s4 =	srdreg.scid;
	s2 =	stileid.u32;
	s13 =	simm.s32 $0x1;
	v31 =	vor.u32 $0x1870, v17;
	[tilespmem:$0x1FF70] =	vst v33  }
0x36: {  	s14 =	simm.s32 $0x4800;
	s15 =	simm.s32 $0x8800;
	s16 =	simm.s32 $0x8C00;
	v4 =	vor.u32 $0x1C00, v17;
	[tilespmem:$0x1FF80] =	vst v31  }
0x37: {  	s17 =	simm.s32 $0x2;
	s18 =	simm.s32 $0x6800;
	s19 =	simm.s32 $0x3;
	v5 =	vor.u32 $0x1C10, v17;
	[tilespmem:$0x1FF90] =	vst v4  }
0x38: {  	s20 =	simm.s32 $0x4;
	s21 =	simm.s32 $0x0;
	s4 =	sand.u32 $0x1, s4;
	v6 =	vor.u32 $0x1C20, v17;
	[tilespmem:$0x1FFA0] =	vst v5  }
0x39: {  	v26 =	vor.u32 $0x10, v17;
	s6 =	sadd.s32 $0x1600, s3;
	s7 =	sshll.u32 s2, $0x5;
	s8 =	sshll.u32 s4, $0x4;
	[tilespmem:$0x1FFB0] =	vst v6  }
0x3a: {  	v27 =	vor.u32 $0x20, v17;
	s9 =	sadd.s32 $0x11600, s3;
	s26 =	ssub.s32 $0x2, s4;
	s28 =	sor.u32 s8, s7;
	[tilespmem:$0x1FFC0] =	vst v26  }
0x3b: {  	v28 =	vor.u32 $0x30, v17;
	s29 =	sshrl.u32 s26, $0x1;
	s8 =	sshll.u32 s28, $0x4;
	s10 =	sshrl.u32 s28, $0x3;
	[tilespmem:$0x1FFD0] =	vst v27  }
0x3c: {  	v29 =	vor.u32 $0x40, v17;
	s11 =	ssub.s32 s26, s29;
	s31 =	sshll.u32 s28, $0x7;
	[tilespmem:$0x1FFE0] =	vst v28;
	s30 =	sor.u32 $0x1, s10  }
0x3d: {  	v0 =	vor.u32 $0x1C40, v17;
	[tilespmem:$0x1FFF0] =	vst v29;
	s3 =	sadd.s32 s5, s8;
	s4 =	sadd.s32 s6, s31;
	s10 =	sshll.u32 s30, $0x7  }
0x3e: {  	s7 =	sadd.s32 s9, s31;
	[tilespmem:$0x1FC50] =	vst v0;
	v0 =	vor.u32 $0x1C50, v17;
	s12 =	sshll.u32 s30, $0xA;
	s5 =	sadd.s32 s5, s10  }
0x3f: {  	[tilespmem:$0x1FC60] =	vst v0;
	v0 =	vor.u32 $0x1C60, v17;
	s6 =	sadd.s32 s6, s12;
	s8 =	sadd.s32 s9, s12;
	s9 =	smax.u32 s11, $0x1  }
0x40: {  	v1 =	vimm.f32 $0.0e+00;
	s10 =	simm.s32 $0x800;
	s11 =	simm.s32 $0x400;
	s12 =	simm.s32 $0x2800;
	[tilespmem:$0x1FC70] =	vst v0  }
.LBB2_1:
0x41: {  	[tilespmem:s1], [sflag:$0x1] =	stream.linear.gather [hbm4b:s3+s1], $0x400, $0x38;
	[tilespmem:$0x9000] =	vst v63  }
0x42: {  	_ = 	snop  }
0x43: {  	[tilespmem:s10], [sflag:$0x1] =	stream.linear.gather [hbm4b:s4+s1], $0x2000, $0x38;
	[tilespmem:$0x9000] =	vst v63  }
0x44: {  	_ = 	snop  }
0x45: {  	v0 =	vmov s1;
	[tilespmem:s11], [sflag:$0x2] =	stream.linear.gather [hbm4b:s5+s1], $0x400, $0x38;
	[tilespmem:$0x9000] =	vst v63  }
0x46: {  	v0 =	vshll.u32 v0, $0x7  }
0x47: {  	v8 =	vbroadcast v0, $0x0;
	[tilespmem:s12], [sflag:$0x2] =	stream.linear.gather [hbm4b:s6+s1], $0x2000, $0x38;
	[tilespmem:$0x9000] =	vst v63  }
0x48: {  	_ =	swait.ge [sflag:s13], $0x400  }
0x49: {  	v0 =	vor.u32 v17, v8;
	[sflag:s13] =	ssyncset.done $0x0  }
0x4a: {  	v9 =	vor.u32 v26, v8;
	[sflag:s13] =	ssyncadd.s32 $0xFFFFFC00  }
0x4b: {  	_ =	swait.ge [sflag:s13], $0x2000  }
0x4c: {  	[sflag:s13] =	ssyncset.done $0x0  }
0x4d: {  	[sflag:s13] =	ssyncadd.s32 $0xFFFFE000  }
0x4e: {  	[tilespmem:v0+s14+$0x0] =	vst.idx.msk $0xffff, v1;
	v0 =	vld [tilespmem:$0x1FC20]  }
0x4f: {  	[tilespmem:v9+s14+$0x0] =	vst.idx.msk $0xffff, v1;
	v9 =	vld [tilespmem:$0x1FC30]  }
0x50: {  	v10 =	vor.u32 v27, v8  }
0x51: {  	v11 =	vor.u32 v28, v8  }
0x52: {  	v12 =	vor.u32 v29, v8  }
0x53: {  	v0 =	vor.u32 v0, v8  }
0x54: {  	v9 =	vor.u32 v9, v8  }
0x55: {  	[tilespmem:v10+s14+$0x0] =	vst.idx.msk $0xffff, v1;
	v10 =	vor.u32 v13, v8  }
0x56: {  	[tilespmem:v11+s14+$0x0] =	vst.idx.msk $0xffff, v1;
	v11 =	vor.u32 v14, v8  }
0x57: {  	[tilespmem:v12+s14+$0x0] =	vst.idx.msk $0xffff, v1;
	v12 =	vor.u32 v15, v8  }
0x58: {  	[tilespmem:v0+s14+$0x0] =	vst.idx.msk $0xffff, v1;
	v0 =	vor.u32 v16, v8  }
0x59: {  	[tilespmem:v9+s14+$0x0] =	vst.idx.msk $0xffff, v1;
	v9 =	vor.u32 v18, v8  }
0x5a: {  	[tilespmem:v10+s14+$0x0] =	vst.idx.msk $0xffff, v1;
	v10 =	vor.u32 v19, v8  }
0x5b: {  	[tilespmem:v11+s14+$0x0] =	vst.idx.msk $0xffff, v1;
	v11 =	vor.u32 v20, v8  }
0x5c: {  	[tilespmem:v12+s14+$0x0] =	vst.idx.msk $0xffff, v1;
	v12 =	vor.u32 v21, v8  }
0x5d: {  	[tilespmem:v0+s14+$0x0] =	vst.idx.msk $0xffff, v1;
	v0 =	vor.u32 v22, v8  }
0x5e: {  	[tilespmem:v9+s14+$0x0] =	vst.idx.msk $0xffff, v1;
	v9 =	vor.u32 v23, v8  }
0x5f: {  	[tilespmem:v10+s14+$0x0] =	vst.idx.msk $0xffff, v1;
	v10 =	vor.u32 v24, v8  }
0x60: {  	[tilespmem:v11+s14+$0x0] =	vst.idx.msk $0xffff, v1;
	v11 =	vor.u32 v25, v8  }
0x61: {  	[tilespmem:v12+s14+$0x0] =	vst.idx.msk $0xffff, v1;
	v12 =	vor.u32 v30, v8  }
0x62: {  	[tilespmem:v0+s14+$0x0] =	vst.idx.msk $0xffff, v1;
	v0 =	vor.u32 v2, v8  }
0x63: {  	[tilespmem:v9+s14+$0x0] =	vst.idx.msk $0xffff, v1;
	v9 =	vor.u32 v3, v8  }
0x64: {  	[tilespmem:v10+s14+$0x0] =	vst.idx.msk $0xffff, v1;
	v10 =	vor.u32 v7, v8  }
0x65: {  	[tilespmem:v11+s14+$0x0] =	vst.idx.msk $0xffff, v1;
	v11 =	vor.u32 v34, v8  }
0x66: {  	[tilespmem:v12+s14+$0x0] =	vst.idx.msk $0xffff, v1;
	v12 =	vor.u32 v35, v8  }
0x67: {  	[tilespmem:v0+s14+$0x0] =	vst.idx.msk $0xffff, v1;
	v0 =	vor.u32 v36, v8  }
0x68: {  	[tilespmem:v9+s14+$0x0] =	vst.idx.msk $0xffff, v1;
	v9 =	vor.u32 v37, v8  }
0x69: {  	[tilespmem:v10+s14+$0x0] =	vst.idx.msk $0xffff, v1;
	v10 =	vor.u32 v38, v8  }
0x6a: {  	[tilespmem:v11+s14+$0x0] =	vst.idx.msk $0xffff, v1;
	v11 =	vor.u32 v39, v8  }
0x6b: {  	[tilespmem:v12+s14+$0x0] =	vst.idx.msk $0xffff, v1;
	v12 =	vor.u32 v40, v8  }
0x6c: {  	[tilespmem:v0+s14+$0x0] =	vst.idx.msk $0xffff, v1;
	v0 =	vor.u32 v41, v8  }
0x6d: {  	[tilespmem:v9+s14+$0x0] =	vst.idx.msk $0xffff, v1;
	v9 =	vor.u32 v42, v8  }
0x6e: {  	[tilespmem:v10+s14+$0x0] =	vst.idx.msk $0xffff, v1;
	v10 =	vor.u32 v43, v8  }
0x6f: {  	[tilespmem:v11+s14+$0x0] =	vst.idx.msk $0xffff, v1;
	v11 =	vor.u32 v44, v8  }
0x70: {  	[tilespmem:v12+s14+$0x0] =	vst.idx.msk $0xffff, v1;
	v12 =	vor.u32 v45, v8  }
0x71: {  	[tilespmem:v0+s14+$0x0] =	vst.idx.msk $0xffff, v1;
	v0 =	vor.u32 v46, v8  }
0x72: {  	[tilespmem:v9+s14+$0x0] =	vst.idx.msk $0xffff, v1;
	v9 =	vor.u32 v47, v8  }
0x73: {  	[tilespmem:v10+s14+$0x0] =	vst.idx.msk $0xffff, v1;
	v10 =	vor.u32 v48, v8  }
0x74: {  	[tilespmem:v11+s14+$0x0] =	vst.idx.msk $0xffff, v1;
	v11 =	vor.u32 v49, v8  }
0x75: {  	[tilespmem:v12+s14+$0x0] =	vst.idx.msk $0xffff, v1;
	v12 =	vor.u32 v50, v8  }
0x76: {  	[tilespmem:v0+s14+$0x0] =	vst.idx.msk $0xffff, v1;
	v0 =	vor.u32 v51, v8  }
0x77: {  	[tilespmem:v9+s14+$0x0] =	vst.idx.msk $0xffff, v1;
	v9 =	vor.u32 v52, v8  }
0x78: {  	[tilespmem:v10+s14+$0x0] =	vst.idx.msk $0xffff, v1;
	v10 =	vor.u32 v53, v8  }
0x79: {  	[tilespmem:v11+s14+$0x0] =	vst.idx.msk $0xffff, v1;
	v11 =	vor.u32 v54, v8  }
0x7a: {  	[tilespmem:v12+s14+$0x0] =	vst.idx.msk $0xffff, v1;
	v12 =	vor.u32 v55, v8  }
0x7b: {  	[tilespmem:v0+s14+$0x0] =	vst.idx.msk $0xffff, v1;
	v0 =	vor.u32 v56, v8  }
0x7c: {  	[tilespmem:v9+s14+$0x0] =	vst.idx.msk $0xffff, v1;
	v9 =	vor.u32 v57, v8  }
0x7d: {  	[tilespmem:v10+s14+$0x0] =	vst.idx.msk $0xffff, v1;
	v10 =	vor.u32 v58, v8  }
0x7e: {  	[tilespmem:v11+s14+$0x0] =	vst.idx.msk $0xffff, v1;
	v11 =	vor.u32 v59, v8  }
0x7f: {  	[tilespmem:v12+s14+$0x0] =	vst.idx.msk $0xffff, v1;
	v12 =	vor.u32 v60, v8  }
0x80: {  	[tilespmem:v0+s14+$0x0] =	vst.idx.msk $0xffff, v1;
	v0 =	vor.u32 v61, v8  }
0x81: {  	[tilespmem:v9+s14+$0x0] =	vst.idx.msk $0xffff, v1  }
0x82: {  	v9 =	vor.u32 v62, v8;
	[tilespmem:v10+s14+$0x0] =	vst.idx.msk $0xffff, v1  }
0x83: {  	v10 =	vor.u32 v63, v8;
	[tilespmem:v11+s14+$0x0] =	vst.idx.msk $0xffff, v1  }
0x84: {  	v29 =	vor.u32 v32, v8;
	v26 =	vmov v22;
	v22 =	vld [tilespmem:$0x1FC40];
	[tilespmem:v12+s14+$0x0] =	vst.idx.msk $0xffff, v1  }
0x85: {  	v28 =	vor.u32 v33, v8;
	[tilespmem:v0+s14+$0x0] =	vst.idx.msk $0xffff, v1;
	v0 =	vld [tilespmem:$0x1FC50]  }
0x86: {  	v18 =	vmov v13;
	v13 =	vor.u32 v31, v8  }
0x87: {  	v27 =	vmovc v23;
	v23 =	vmov v19;
	v19 =	vmov v14;
	v14 =	vor.u32 v4, v8;
	[tilespmem:v9+s14+$0x0] =	vst.idx.msk $0xffff, v1  }
0x88: {  	v11 =	vor.u32 v5, v8;
	v12 =	vor.u32 v6, v8;
	[tilespmem:v10+s14+$0x0] =	vst.idx.msk $0xffff, v1  }
0x89: {  	v10 =	vor.u32 v22, v8;
	[tilespmem:v29+s14+$0x0] =	vst.idx.msk $0xffff, v1;
	v29 =	vmovc v25;
	v25 =	vmov v21;
	v21 =	vmov v16  }
0x8a: {  	s22 =	simm.s32 $0x1;
	[tilespmem:v28+s14+$0x0] =	vst.idx.msk $0xffff, v1;
	v28 =	vmovc v24;
	v24 =	vmov v20;
	v20 =	vmov v15;
	v9 =	vor.u32 v0, v8  }
.LBB2_2:
0x8b: {  	_ =	sdelay $0x1  }
0x8c: {  	v0 =	vmov s22  }
0x8d: {  	[tilespmem:v13+s14+$0x0] =	vst.idx.msk $0xffff, v1;
	v0 =	vshll.u32 v0, $0x7  }
0x8e: {  	[tilespmem:v14+s14+$0x0] =	vst.idx.msk $0xffff, v1;
	v14 =	vbroadcast v0, $0x0;
	v0 =	vld [tilespmem:$0x1FC70]  }
0x8f: {  	v13 =	vld [tilespmem:$0x1FC60];
	_ =	sdelay $0x3  }
0x90: {  	[tilespmem:v11+s14+$0x0] =	vst.idx.msk $0xffff, v1;
	v11 =	vor.u32 v0, v8;
	v0 =	vor.u32 $0x1C70, v17  }
0x91: {  	[tilespmem:v12+s14+$0x0] =	vst.idx.msk $0xffff, v1;
	v13 =	vor.u32 v13, v8;
	v12 =	vor.u32 v0, v8;
	v8 =	vld [tilespmem:$0x1FC50]  }
0x92: {  	[tilespmem:v10+s14+$0x0] =	vst.idx.msk $0xffff, v1;
	v10 =	vld [tilespmem:$0x1FFC0];
	_ =	sdelay $0x3  }
0x93: {  	v15 =	vor.u32 v17, v14;
	v16 =	vor.u32 v8, v14;
	v8 =	vmov v14  }
0x94: {  	[tilespmem:v9+s14+$0x0] =	vst.idx.msk $0xffff, v1;
	v10 =	vor.u32 v10, v8  }
0x95: {  	[tilespmem:v13+s14+$0x0] =	vst.idx.msk $0xffff, v1;
	v14 =	vld [tilespmem:$0x1FFD0]  }
0x96: {  	v13 =	vld [tilespmem:$0x1FFE0];
	[tilespmem:v11+s14+$0x0] =	vst.idx.msk $0xffff, v1  }
0x97: {  	v11 =	vld [tilespmem:$0x1FFF0];
	[tilespmem:v12+s14+$0x0] =	vst.idx.msk $0xffff, v1  }
0x98: {  	v12 =	vld [tilespmem:$0x1FC20];
	[tilespmem:v15+s14+$0x0] =	vst.idx.msk $0xffff, v1  }
0x99: {  	[tilespmem:v10+s14+$0x0] =	vst.idx.msk $0xffff, v1;
	v10 =	vld [tilespmem:$0x1FC30]  }
0x9a: {  	v14 =	vor.u32 v14, v8  }
0x9b: {  	v13 =	vor.u32 v13, v8  }
0x9c: {  	v11 =	vor.u32 v11, v8  }
0x9d: {  	v12 =	vor.u32 v12, v8  }
0x9e: {  	v10 =	vor.u32 v10, v8  }
0x9f: {  	[tilespmem:v14+s14+$0x0] =	vst.idx.msk $0xffff, v1  }
0xa0: {  	[tilespmem:v13+s14+$0x0] =	vst.idx.msk $0xffff, v1  }
0xa1: {  	[tilespmem:v11+s14+$0x0] =	vst.idx.msk $0xffff, v1  }
0xa2: {  	[tilespmem:v12+s14+$0x0] =	vst.idx.msk $0xffff, v1  }
0xa3: {  	[tilespmem:v10+s14+$0x0] =	vst.idx.msk $0xffff, v1;
	v10 =	vld [tilespmem:$0x1FCC0]  }
0xa4: {  	v14 =	vor.u32 v18, v8  }
0xa5: {  	v13 =	vor.u32 v19, v8  }
0xa6: {  	v11 =	vor.u32 v20, v8  }
0xa7: {  	v12 =	vor.u32 v21, v8  }
0xa8: {  	v10 =	vor.u32 v10, v8  }
0xa9: {  	[tilespmem:v14+s14+$0x0] =	vst.idx.msk $0xffff, v1;
	v14 =	vor.u32 v23, v8  }
0xaa: {  	[tilespmem:v13+s14+$0x0] =	vst.idx.msk $0xffff, v1;
	v13 =	vor.u32 v24, v8  }
0xab: {  	[tilespmem:v11+s14+$0x0] =	vst.idx.msk $0xffff, v1;
	v11 =	vor.u32 v25, v8  }
0xac: {  	[tilespmem:v12+s14+$0x0] =	vst.idx.msk $0xffff, v1;
	v12 =	vor.u32 v26, v8  }
0xad: {  	[tilespmem:v10+s14+$0x0] =	vst.idx.msk $0xffff, v1;
	v10 =	vor.u32 v27, v8  }
0xae: {  	[tilespmem:v14+s14+$0x0] =	vst.idx.msk $0xffff, v1;
	v14 =	vor.u32 v28, v8  }
0xaf: {  	[tilespmem:v13+s14+$0x0] =	vst.idx.msk $0xffff, v1;
	v13 =	vor.u32 v29, v8  }
0xb0: {  	[tilespmem:v11+s14+$0x0] =	vst.idx.msk $0xffff, v1;
	v11 =	vor.u32 v30, v8  }
0xb1: {  	[tilespmem:v12+s14+$0x0] =	vst.idx.msk $0xffff, v1;
	v12 =	vor.u32 v2, v8  }
0xb2: {  	[tilespmem:v10+s14+$0x0] =	vst.idx.msk $0xffff, v1;
	v10 =	vor.u32 v3, v8  }
0xb3: {  	[tilespmem:v14+s14+$0x0] =	vst.idx.msk $0xffff, v1;
	v14 =	vor.u32 v7, v8  }
0xb4: {  	[tilespmem:v13+s14+$0x0] =	vst.idx.msk $0xffff, v1;
	v13 =	vor.u32 v34, v8  }
0xb5: {  	[tilespmem:v11+s14+$0x0] =	vst.idx.msk $0xffff, v1;
	v11 =	vor.u32 v35, v8  }
0xb6: {  	[tilespmem:v12+s14+$0x0] =	vst.idx.msk $0xffff, v1;
	v12 =	vor.u32 v36, v8  }
0xb7: {  	[tilespmem:v10+s14+$0x0] =	vst.idx.msk $0xffff, v1;
	v10 =	vor.u32 v37, v8  }
0xb8: {  	[tilespmem:v14+s14+$0x0] =	vst.idx.msk $0xffff, v1;
	v14 =	vor.u32 v38, v8  }
0xb9: {  	[tilespmem:v13+s14+$0x0] =	vst.idx.msk $0xffff, v1;
	v13 =	vor.u32 v39, v8  }
0xba: {  	[tilespmem:v11+s14+$0x0] =	vst.idx.msk $0xffff, v1;
	v11 =	vor.u32 v40, v8  }
0xbb: {  	[tilespmem:v12+s14+$0x0] =	vst.idx.msk $0xffff, v1;
	v12 =	vor.u32 v41, v8  }
0xbc: {  	[tilespmem:v10+s14+$0x0] =	vst.idx.msk $0xffff, v1;
	v10 =	vor.u32 v42, v8  }
0xbd: {  	[tilespmem:v14+s14+$0x0] =	vst.idx.msk $0xffff, v1;
	v14 =	vor.u32 v43, v8  }
0xbe: {  	[tilespmem:v13+s14+$0x0] =	vst.idx.msk $0xffff, v1;
	v13 =	vor.u32 v44, v8  }
0xbf: {  	[tilespmem:v11+s14+$0x0] =	vst.idx.msk $0xffff, v1;
	v11 =	vor.u32 v45, v8  }
0xc0: {  	[tilespmem:v12+s14+$0x0] =	vst.idx.msk $0xffff, v1;
	v12 =	vor.u32 v46, v8  }
0xc1: {  	[tilespmem:v10+s14+$0x0] =	vst.idx.msk $0xffff, v1;
	v10 =	vor.u32 v47, v8  }
0xc2: {  	[tilespmem:v14+s14+$0x0] =	vst.idx.msk $0xffff, v1;
	v14 =	vor.u32 v48, v8  }
0xc3: {  	[tilespmem:v13+s14+$0x0] =	vst.idx.msk $0xffff, v1;
	v13 =	vor.u32 v49, v8  }
0xc4: {  	[tilespmem:v11+s14+$0x0] =	vst.idx.msk $0xffff, v1;
	v11 =	vor.u32 v50, v8  }
0xc5: {  	[tilespmem:v12+s14+$0x0] =	vst.idx.msk $0xffff, v1;
	v12 =	vor.u32 v51, v8  }
0xc6: {  	[tilespmem:v10+s14+$0x0] =	vst.idx.msk $0xffff, v1;
	v10 =	vor.u32 v52, v8  }
0xc7: {  	[tilespmem:v14+s14+$0x0] =	vst.idx.msk $0xffff, v1;
	v14 =	vor.u32 v53, v8  }
0xc8: {  	[tilespmem:v13+s14+$0x0] =	vst.idx.msk $0xffff, v1;
	v13 =	vor.u32 v54, v8  }
0xc9: {  	[tilespmem:v11+s14+$0x0] =	vst.idx.msk $0xffff, v1;
	v11 =	vor.u32 v55, v8  }
0xca: {  	[tilespmem:v12+s14+$0x0] =	vst.idx.msk $0xffff, v1;
	v12 =	vor.u32 v56, v8  }
0xcb: {  	[tilespmem:v10+s14+$0x0] =	vst.idx.msk $0xffff, v1;
	v10 =	vor.u32 v57, v8  }
0xcc: {  	[tilespmem:v14+s14+$0x0] =	vst.idx.msk $0xffff, v1;
	v14 =	vor.u32 v58, v8  }
0xcd: {  	[tilespmem:v13+s14+$0x0] =	vst.idx.msk $0xffff, v1;
	v13 =	vor.u32 v59, v8  }
0xce: {  	[tilespmem:v11+s14+$0x0] =	vst.idx.msk $0xffff, v1;
	v11 =	vor.u32 v60, v8  }
0xcf: {  	[tilespmem:v12+s14+$0x0] =	vst.idx.msk $0xffff, v1;
	v12 =	vor.u32 v61, v8  }
0xd0: {  	[tilespmem:v10+s14+$0x0] =	vst.idx.msk $0xffff, v1;
	v10 =	vor.u32 v62, v8  }
0xd1: {  	v15 =	vor.u32 v63, v8;
	[tilespmem:v14+s14+$0x0] =	vst.idx.msk $0xffff, v1  }
0xd2: {  	v9 =	vmov v16;
	v16 =	vor.u32 v32, v8;
	[tilespmem:v13+s14+$0x0] =	vst.idx.msk $0xffff, v1  }
0xd3: {  	p0 =	sne.s32 s22, $0x7;
	v17 =	vor.u32 v33, v8;
	[tilespmem:v11+s14+$0x0] =	vst.idx.msk $0xffff, v1  }
.Ltmp0:
0xd4: {  	[tilespmem:v12+s14+$0x0] =	vst.idx.msk $0xffff, v1;
	(pc) =	sbr.rel @p0 .LBB2_2-.Ltmp0, $4  }
0xd5: {  	[tilespmem:v10+s14+$0x0] =	vst.idx.msk $0xffff, v1  }
0xd6: {  	v14 =	vor.u32 v4, v8;
	[tilespmem:v15+s14+$0x0] =	vst.idx.msk $0xffff, v1  }
0xd7: {  	v13 =	vor.u32 v31, v8;
	v11 =	vor.u32 v5, v8;
	[tilespmem:v16+s14+$0x0] =	vst.idx.msk $0xffff, v1  }
0xd8: {  	s22 =	sadd.s32 $0x1, s22;
	v12 =	vor.u32 v6, v8;
	v10 =	vor.u32 v22, v8;
	[tilespmem:v17+s14+$0x0] =	vst.idx.msk $0xffff, v1;
	v17 =	vlaneseq.u32  }
0xd9: {  	v2 =	vld [tilespmem:$0x1FC60];
	_ =	sdelay $0x4  }
0xda: {  	v62 =	vor.u32 v2, v8;
	v2 =	vld [tilespmem:$0x1FC70];
	_ =	sdelay $0x2  }
0xdb: {  	[tilespmem:v13+s14+$0x0] =	vst.idx.msk $0xffff, v1  }
0xdc: {  	[tilespmem:v14+s14+$0x0] =	vst.idx.msk $0xffff, v1  }
0xdd: {  	[tilespmem:v11+s14+$0x0] =	vst.idx.msk $0xffff, v1;
	v63 =	vor.u32 v2, v8  }
0xde: {  	v31 =	vld [tilespmem:$0x1FFC0];
	[tilespmem:v12+s14+$0x0] =	vst.idx.msk $0xffff, v1;
	v8 =	vor.u32 v0, v8  }
0xdf: {  	v4 =	vld [tilespmem:$0x1FFD0];
	[tilespmem:v10+s14+$0x0] =	vst.idx.msk $0xffff, v1  }
0xe0: {  	v5 =	vld [tilespmem:$0x1FFE0];
	[tilespmem:v9+s14+$0x0] =	vst.idx.msk $0xffff, v1  }
0xe1: {  	v6 =	vld [tilespmem:$0x1FFF0];
	[tilespmem:v62+s14+$0x0] =	vst.idx.msk $0xffff, v1  }
0xe2: {  	v32 =	vld [tilespmem:$0x1FC20];
	[tilespmem:v63+s14+$0x0] =	vst.idx.msk $0xffff, v1  }
0xe3: {  	s22 =	simm.s32 $0x0;
	v33 =	vld [tilespmem:$0x1FC30];
	v2 =	vimm.f32 $1.000000000e+00;
	[tilespmem:v8+s14+$0x0] =	vst.idx.msk $0xffff, v1  }
.LBB2_4:
0xe4: {  	v8 =	vmov s22  }
0xe5: {  	v8 =	vshll.u32 v8, $0x7  }
0xe6: {  	v8 =	vbroadcast v8, $0x0  }
0xe7: {  	v3 =	vadd.s32 $0x1, v17  }
0xe8: {  	v9 =	vor.u32 v3, v8  }
0xe9: {  	v7 =	vadd.s32 $0x11, v17  }
0xea: {  	v10 =	vor.u32 v7, v8  }
0xeb: {  	v18 =	vadd.s32 $0x21, v17  }
0xec: {  	v19 =	vadd.s32 $0x31, v17;
	v11 =	vor.u32 v18, v8  }
0xed: {  	v20 =	vadd.s32 $0x41, v17;
	v12 =	vor.u32 v19, v8;
	v13 =	vld.idx.msk [tilespmem:v9+s1+$0x0], $0xffff  }
0xee: {  	v21 =	vadd.s32 $0x51, v17;
	v62 =	vor.u32 v20, v8  }
0xef: {  	v22 =	vadd.s32 $0x61, v17;
	v14 =	vor.u32 v21, v8;
	v15 =	vld.idx.msk [tilespmem:v10+s1+$0x0], $0xffff  }
0xf0: {  	v16 =	vor.u32 v22, v8  }
0xf1: {  	v17 =	vld.idx.msk [tilespmem:v11+s1+$0x0], $0xffff  }
0xf2: {  	v63 =	vld.idx.msk [tilespmem:v12+s1+$0x0], $0xffff  }
0xf3: {  	v24 =	vld.idx.msk [tilespmem:v62+s1+$0x0], $0xffff  }
0xf4: {  	v25 =	vld.idx.msk [tilespmem:v14+s1+$0x0], $0xffff  }
0xf5: {  	v16 =	vld.idx.msk [tilespmem:v16+s1+$0x0], $0xffff;
	[tilespmem:v13+s15+$0x0] =	vst.idx.msk $0xffff, v1  }
0xf6: {  	[tilespmem:v13+s16+$0x0] =	vst.idx.msk $0xffff, v1  }
0xf7: {  	[tilespmem:v15+s15+$0x0] =	vst.idx.msk $0xffff, v1  }
0xf8: {  	[tilespmem:v15+s16+$0x0] =	vst.idx.msk $0xffff, v1  }
0xf9: {  	[tilespmem:v17+s15+$0x0] =	vst.idx.msk $0xffff, v1  }
0xfa: {  	[tilespmem:v17+s16+$0x0] =	vst.idx.msk $0xffff, v1  }
0xfb: {  	[tilespmem:v63+s15+$0x0] =	vst.idx.msk $0xffff, v1  }
0xfc: {  	[tilespmem:v63+s16+$0x0] =	vst.idx.msk $0xffff, v1  }
0xfd: {  	v26 =	vlaneseq.u32;
	[tilespmem:v24+s15+$0x0] =	vst.idx.msk $0xffff, v1  }
0xfe: {  	v12 =	vor.u32 v26, v8;
	[tilespmem:v24+s16+$0x0] =	vst.idx.msk $0xffff, v1  }
0xff: {  	[tilespmem:v25+s15+$0x0] =	vst.idx.msk $0xffff, v1  }
0x100: {  	[tilespmem:v25+s16+$0x0] =	vst.idx.msk $0xffff, v1  }
0x101: {  	[tilespmem:v16+s15+$0x0] =	vst.idx.msk $0x7, v1  }
0x102: {  	[tilespmem:v16+s16+$0x0] =	vst.idx.msk $0x7, v1  }
0x103: {  	v12 =	vld.idx.msk [tilespmem:v12+s1+$0x0], $0xffff;
	_ =	sdelay $0x4  }
0x104: {  	v27 =	vshll.u32 v12, $0x3  }
0x105: {  	v12 =	vand.u32 $0x7F, v12;
	v14 =	vand.u32 $0xFFFFFC00, v27  }
0x106: {  	v12 =	vor.u32 v14, v12  }
0x107: {  	v12 =	vor.u32 v8, v12;
	_ =	sdelay $0x4  }
0x108: {  	v12 =	vld.idx.msk [tilespmem:v12+s10+$0x0], $0xffff;
	_ =	sdelay $0x1  }
0x109: {  	v34 =	vor.u32 v31, v8;
	_ =	sdelay $0x2  }
0x10a: {  	[tilespmem:v13+s15+$0x0] =	vst.idx.add.f32.msk $0xffff, v12  }
0x10b: {  	[tilespmem:v13+s16+$0x0] =	vst.idx.add.f32.msk $0xffff, v2  }
0x10c: {  	v12 =	vld.idx.msk [tilespmem:v34+s1+$0x0], $0xffff;
	_ =	sdelay $0x4  }
0x10d: {  	v14 =	vshll.u32 v12, $0x3  }
0x10e: {  	v12 =	vand.u32 $0x7F, v12;
	v14 =	vand.u32 $0xFFFFFC00, v14  }
0x10f: {  	v12 =	vor.u32 v14, v12  }
0x110: {  	v12 =	vor.u32 v8, v12;
	_ =	sdelay $0x4  }
0x111: {  	v12 =	vld.idx.msk [tilespmem:v12+s10+$0x0], $0xffff;
	_ =	sdelay $0x1  }
0x112: {  	v35 =	vor.u32 v4, v8;
	_ =	sdelay $0x2  }
0x113: {  	[tilespmem:v15+s15+$0x0] =	vst.idx.add.f32.msk $0xffff, v12  }
0x114: {  	[tilespmem:v15+s16+$0x0] =	vst.idx.add.f32.msk $0xffff, v2  }
0x115: {  	v12 =	vld.idx.msk [tilespmem:v35+s1+$0x0], $0xffff;
	_ =	sdelay $0x4  }
0x116: {  	v14 =	vshll.u32 v12, $0x3  }
0x117: {  	v12 =	vand.u32 $0x7F, v12;
	v14 =	vand.u32 $0xFFFFFC00, v14  }
0x118: {  	v12 =	vor.u32 v14, v12  }
0x119: {  	v12 =	vor.u32 v8, v12;
	_ =	sdelay $0x4  }
0x11a: {  	v12 =	vld.idx.msk [tilespmem:v12+s10+$0x0], $0xffff;
	_ =	sdelay $0x1  }
0x11b: {  	v36 =	vor.u32 v5, v8;
	_ =	sdelay $0x2  }
0x11c: {  	[tilespmem:v17+s15+$0x0] =	vst.idx.add.f32.msk $0xffff, v12  }
0x11d: {  	[tilespmem:v17+s16+$0x0] =	vst.idx.add.f32.msk $0xffff, v2  }
0x11e: {  	v12 =	vld.idx.msk [tilespmem:v36+s1+$0x0], $0xffff;
	_ =	sdelay $0x4  }
0x11f: {  	v14 =	vshll.u32 v12, $0x3  }
0x120: {  	v12 =	vand.u32 $0x7F, v12;
	v14 =	vand.u32 $0xFFFFFC00, v14  }
0x121: {  	v12 =	vor.u32 v14, v12  }
0x122: {  	v12 =	vor.u32 v8, v12;
	_ =	sdelay $0x4  }
0x123: {  	v12 =	vld.idx.msk [tilespmem:v12+s10+$0x0], $0xffff;
	_ =	sdelay $0x1  }
0x124: {  	v37 =	vor.u32 v6, v8;
	_ =	sdelay $0x2  }
0x125: {  	[tilespmem:v63+s15+$0x0] =	vst.idx.add.f32.msk $0xffff, v12  }
0x126: {  	[tilespmem:v63+s16+$0x0] =	vst.idx.add.f32.msk $0xffff, v2  }
0x127: {  	v12 =	vld.idx.msk [tilespmem:v37+s1+$0x0], $0xffff;
	_ =	sdelay $0x4  }
0x128: {  	v14 =	vshll.u32 v12, $0x3  }
0x129: {  	v12 =	vand.u32 $0x7F, v12;
	v14 =	vand.u32 $0xFFFFFC00, v14  }
0x12a: {  	v12 =	vor.u32 v14, v12  }
0x12b: {  	v12 =	vor.u32 v8, v12;
	_ =	sdelay $0x4  }
0x12c: {  	v12 =	vld.idx.msk [tilespmem:v12+s10+$0x0], $0xffff;
	_ =	sdelay $0x1  }
0x12d: {  	v38 =	vor.u32 v32, v8;
	_ =	sdelay $0x2  }
0x12e: {  	[tilespmem:v24+s15+$0x0] =	vst.idx.add.f32.msk $0xffff, v12  }
0x12f: {  	[tilespmem:v24+s16+$0x0] =	vst.idx.add.f32.msk $0xffff, v2  }
0x130: {  	v12 =	vld.idx.msk [tilespmem:v38+s1+$0x0], $0xffff;
	_ =	sdelay $0x4  }
0x131: {  	v14 =	vshll.u32 v12, $0x3  }
0x132: {  	v12 =	vand.u32 $0x7F, v12;
	v14 =	vand.u32 $0xFFFFFC00, v14  }
0x133: {  	v12 =	vor.u32 v14, v12  }
0x134: {  	v12 =	vor.u32 v8, v12;
	_ =	sdelay $0x4  }
0x135: {  	v12 =	vld.idx.msk [tilespmem:v12+s10+$0x0], $0xffff;
	_ =	sdelay $0x1  }
0x136: {  	v39 =	vor.u32 v33, v8;
	_ =	sdelay $0x2  }
0x137: {  	[tilespmem:v25+s15+$0x0] =	vst.idx.add.f32.msk $0xffff, v12  }
0x138: {  	[tilespmem:v25+s16+$0x0] =	vst.idx.add.f32.msk $0xffff, v2  }
0x139: {  	v12 =	vld.idx.msk [tilespmem:v39+s1+$0x0], $0xffff;
	_ =	sdelay $0x4  }
0x13a: {  	v14 =	vshll.u32 v12, $0x3  }
0x13b: {  	v12 =	vand.u32 $0x7F, v12;
	v14 =	vand.u32 $0xFFFFFC00, v14  }
0x13c: {  	v12 =	vor.u32 v14, v12  }
0x13d: {  	v12 =	vor.u32 v8, v12;
	_ =	sdelay $0x4  }
0x13e: {  	v12 =	vld.idx.msk [tilespmem:v12+s10+$0x0], $0xffff;
	_ =	sdelay $0x4  }
0x13f: {  	[tilespmem:v16+s15+$0x0] =	vst.idx.add.f32.msk $0x7, v12  }
0x140: {  	[tilespmem:v16+s16+$0x0] =	vst.idx.add.f32.msk $0x7, v2  }
0x141: {  	v12 =	vld.idx.msk [tilespmem:v13+s16+$0x0], $0xffff;
	_ =	sdelay $0x4  }
0x142: {  	v12 =	vmax.f32 v12, $1.000000000e+00  }
0x143: {  	(erf) = vrcp.f32 v12;
	_ =	sdelay $0x3  }
0x144: {  	v40 =	vshll.u32 v13, $0x3  }
0x145: {  	v41 =	vand.u32 $0x7F, v13;
	v13 =	vld.idx.msk [tilespmem:v13+s15+$0x0], $0xffff;
	v12 =	vand.u32 $0xFFFFFC00, v40  }
0x146: {  	v12 =	vor.u32 v12, v41  }
0x147: {  	v12 =	vor.u32 v8, v12;
	_ =	sdelay $0x1  }
0x148: {  	v42 =	vpop (erf)  }
0x149: {  	v13 =	vmul.f32 v42, v13;
	_ =	sdelay $0x1  }
0x14a: {  	[tilespmem:v12+s14+$0x0] =	vst.idx.msk $0xffff, v13  }
0x14b: {  	v12 =	vld.idx.msk [tilespmem:v15+s16+$0x0], $0xffff;
	_ =	sdelay $0x4  }
0x14c: {  	v12 =	vmax.f32 v12, $1.000000000e+00  }
0x14d: {  	(erf) = vrcp.f32 v12;
	_ =	sdelay $0x3  }
0x14e: {  	v43 =	vshll.u32 v15, $0x3  }
0x14f: {  	v44 =	vand.u32 $0x7F, v15;
	v45 =	vld.idx.msk [tilespmem:v15+s15+$0x0], $0xffff;
	v12 =	vand.u32 $0xFFFFFC00, v43  }
0x150: {  	v12 =	vor.u32 v12, v44  }
0x151: {  	v12 =	vor.u32 v8, v12;
	_ =	sdelay $0x1  }
0x152: {  	v46 =	vpop (erf)  }
0x153: {  	v13 =	vmul.f32 v46, v45;
	_ =	sdelay $0x1  }
0x154: {  	[tilespmem:v12+s14+$0x0] =	vst.idx.msk $0xffff, v13  }
0x155: {  	v12 =	vld.idx.msk [tilespmem:v17+s16+$0x0], $0xffff;
	_ =	sdelay $0x4  }
0x156: {  	v12 =	vmax.f32 v12, $1.000000000e+00  }
0x157: {  	(erf) = vrcp.f32 v12;
	_ =	sdelay $0x3  }
0x158: {  	v47 =	vshll.u32 v17, $0x3  }
0x159: {  	v48 =	vand.u32 $0x7F, v17;
	v49 =	vld.idx.msk [tilespmem:v17+s15+$0x0], $0xffff;
	v12 =	vand.u32 $0xFFFFFC00, v47  }
0x15a: {  	v12 =	vor.u32 v12, v48  }
0x15b: {  	v12 =	vor.u32 v8, v12;
	_ =	sdelay $0x1  }
0x15c: {  	v50 =	vpop (erf)  }
0x15d: {  	v13 =	vmul.f32 v50, v49;
	_ =	sdelay $0x1  }
0x15e: {  	[tilespmem:v12+s14+$0x0] =	vst.idx.msk $0xffff, v13  }
0x15f: {  	v12 =	vld.idx.msk [tilespmem:v63+s16+$0x0], $0xffff;
	_ =	sdelay $0x4  }
0x160: {  	v12 =	vmax.f32 v12, $1.000000000e+00  }
0x161: {  	(erf) = vrcp.f32 v12;
	_ =	sdelay $0x3  }
0x162: {  	v51 =	vshll.u32 v63, $0x3  }
0x163: {  	v52 =	vand.u32 $0x7F, v63;
	v11 =	vld.idx.msk [tilespmem:v63+s15+$0x0], $0xffff;
	v12 =	vand.u32 $0xFFFFFC00, v51  }
0x164: {  	v12 =	vor.u32 v12, v52  }
0x165: {  	v12 =	vor.u32 v8, v12;
	_ =	sdelay $0x1  }
0x166: {  	v53 =	vpop (erf)  }
0x167: {  	v11 =	vmul.f32 v53, v11;
	_ =	sdelay $0x1  }
0x168: {  	[tilespmem:v12+s14+$0x0] =	vst.idx.msk $0xffff, v11  }
0x169: {  	v11 =	vld.idx.msk [tilespmem:v24+s16+$0x0], $0xffff;
	_ =	sdelay $0x4  }
0x16a: {  	v11 =	vmax.f32 v11, $1.000000000e+00  }
0x16b: {  	(erf) = vrcp.f32 v11;
	_ =	sdelay $0x3  }
0x16c: {  	v54 =	vshll.u32 v24, $0x3  }
0x16d: {  	v55 =	vand.u32 $0x7F, v24;
	v10 =	vld.idx.msk [tilespmem:v24+s15+$0x0], $0xffff;
	v11 =	vand.u32 $0xFFFFFC00, v54  }
0x16e: {  	v11 =	vor.u32 v11, v55  }
0x16f: {  	v11 =	vor.u32 v8, v11;
	_ =	sdelay $0x1  }
0x170: {  	v56 =	vpop (erf)  }
0x171: {  	v10 =	vmul.f32 v56, v10;
	_ =	sdelay $0x1  }
0x172: {  	[tilespmem:v11+s14+$0x0] =	vst.idx.msk $0xffff, v10  }
0x173: {  	v10 =	vld.idx.msk [tilespmem:v25+s16+$0x0], $0xffff;
	_ =	sdelay $0x4  }
0x174: {  	v10 =	vmax.f32 v10, $1.000000000e+00  }
0x175: {  	(erf) = vrcp.f32 v10;
	_ =	sdelay $0x3  }
0x176: {  	v57 =	vshll.u32 v25, $0x3  }
0x177: {  	v58 =	vand.u32 $0x7F, v25;
	v9 =	vld.idx.msk [tilespmem:v25+s15+$0x0], $0xffff;
	v10 =	vand.u32 $0xFFFFFC00, v57  }
0x178: {  	v10 =	vor.u32 v10, v58  }
0x179: {  	v10 =	vor.u32 v8, v10;
	_ =	sdelay $0x1  }
0x17a: {  	v59 =	vpop (erf)  }
0x17b: {  	v9 =	vmul.f32 v59, v9;
	_ =	sdelay $0x1  }
0x17c: {  	[tilespmem:v10+s14+$0x0] =	vst.idx.msk $0xffff, v9  }
0x17d: {  	v9 =	vld.idx.msk [tilespmem:v16+s16+$0x0], $0xffff;
	_ =	sdelay $0x4  }
0x17e: {  	v9 =	vmax.f32 v9, $1.000000000e+00  }
0x17f: {  	(erf) = vrcp.f32 v9;
	_ =	sdelay $0x3  }
0x180: {  	v60 =	vshll.u32 v16, $0x3  }
0x181: {  	v61 =	vand.u32 $0x7F, v16;
	v62 =	vld.idx.msk [tilespmem:v16+s15+$0x0], $0xffff;
	v9 =	vand.u32 $0xFFFFFC00, v60  }
0x182: {  	v9 =	vor.u32 v9, v61  }
0x183: {  	p0 =	sne.s32 s22, $0x7;
	v8 =	vor.u32 v8, v9  }
.Ltmp1:
0x184: {  	_ = 	snop;
	(pc) =	sbr.rel @p0 .LBB2_4-.Ltmp1, $3  }
0x185: {  	v63 =	vpop (erf)  }
0x186: {  	v9 =	vmul.f32 v63, v62;
	_ =	sdelay $0x1  }
0x187: {  	s22 =	sadd.s32 $0x1, s22;
	v17 =	vlaneseq.u32;
	[tilespmem:v8+s14+$0x0] =	vst.idx.msk $0x7, v9  }
0x188: {  	[tilespmem:$0x1FBB0] =	vst v22  }
0x189: {  	[tilespmem:$0x1FBC0] =	vst v21  }
0x18a: {  	[tilespmem:$0x1FBD0] =	vst v20  }
0x18b: {  	[tilespmem:$0x1FBE0] =	vst v19  }
0x18c: {  	[tilespmem:$0x1FBF0] =	vst v18  }
0x18d: {  	[tilespmem:$0x1FC00] =	vst v7;
	s22 =	simm.s32 $0x0  }
0x18e: {  	[tilespmem:$0x1FC10] =	vst v3;
	v8 =	vmov s22  }
0x18f: {  	[hbm4b:s7+s22] =	stream.linear.scatter [tilespmem:s14], [sflag:$0x3], $0x2000, $0x38;
	v8 =	vshll.u32 v8, $0x7;
	[tilespmem:$0x9000] =	vst v63  }
0x190: {  	_ =	swait.ge [sflag:s17], $0x400;
	v8 =	vbroadcast v8, $0x0  }
0x191: {  	[sflag:s17] =	ssyncset.done $0x0  }
0x192: {  	[sflag:s17] =	ssyncadd.s32 $0xFFFFFC00;
	v9 =	vor.u32 v17, v8  }
0x193: {  	v10 =	vor.u32 v31, v8;
	_ =	swait.ge [sflag:s17], $0x2000  }
0x194: {  	v11 =	vor.u32 v4, v8;
	v2 =	vld [tilespmem:$0x1FC80]  }
0x195: {  	[sflag:s17] =	ssyncset.done $0x0  }
0x196: {  	[sflag:s17] =	ssyncadd.s32 $0xFFFFE000  }
0x197: {  	[tilespmem:v9+s18+$0x0] =	vst.idx.msk $0xffff, v1  }
0x198: {  	[tilespmem:v10+s18+$0x0] =	vst.idx.msk $0xffff, v1  }
0x199: {  	v12 =	vor.u32 v5, v8;
	[tilespmem:v11+s18+$0x0] =	vst.idx.msk $0xffff, v1;
	v11 =	vor.u32 v2, v8;
	v2 =	vld [tilespmem:$0x1FC90];
	_ =	sdelay $0x4  }
0x19a: {  	v13 =	vor.u32 v6, v8;
	[tilespmem:v12+s18+$0x0] =	vst.idx.msk $0xffff, v1;
	v12 =	vor.u32 v2, v8;
	v2 =	vld [tilespmem:$0x1FCA0];
	_ =	sdelay $0x4  }
0x19b: {  	v9 =	vor.u32 v32, v8;
	[tilespmem:v13+s18+$0x0] =	vst.idx.msk $0xffff, v1;
	v13 =	vor.u32 v2, v8;
	v2 =	vld [tilespmem:$0x1FCB0];
	_ =	sdelay $0x4  }
0x19c: {  	v10 =	vor.u32 v33, v8;
	[tilespmem:v9+s18+$0x0] =	vst.idx.msk $0xffff, v1;
	v9 =	vor.u32 v2, v8;
	v2 =	vld [tilespmem:$0x1FCC0];
	_ =	sdelay $0x3  }
0x19d: {  	v24 =	vld [tilespmem:$0x1FCE0]  }
0x19e: {  	[tilespmem:v10+s18+$0x0] =	vst.idx.msk $0xffff, v1;
	v10 =	vor.u32 v2, v8;
	v2 =	vld [tilespmem:$0x1FCD0]  }
0x19f: {  	v25 =	vld [tilespmem:$0x1FCF0]  }
0x1a0: {  	v26 =	vld [tilespmem:$0x1FD00]  }
0x1a1: {  	v27 =	vld [tilespmem:$0x1FD10]  }
0x1a2: {  	v28 =	vld [tilespmem:$0x1FD20]  }
0x1a3: {  	v29 =	vld [tilespmem:$0x1FD30];
	[tilespmem:v11+s18+$0x0] =	vst.idx.msk $0xffff, v1;
	v11 =	vor.u32 v2, v8  }
0x1a4: {  	v30 =	vld [tilespmem:$0x1FD40];
	[tilespmem:v12+s18+$0x0] =	vst.idx.msk $0xffff, v1;
	v12 =	vor.u32 v24, v8  }
0x1a5: {  	v3 =	vld [tilespmem:$0x1FD60];
	[tilespmem:v13+s18+$0x0] =	vst.idx.msk $0xffff, v1;
	v13 =	vor.u32 v25, v8  }
0x1a6: {  	[tilespmem:v9+s18+$0x0] =	vst.idx.msk $0xffff, v1;
	v9 =	vor.u32 v26, v8;
	v2 =	vld [tilespmem:$0x1FD50]  }
0x1a7: {  	v7 =	vld [tilespmem:$0x1FD70];
	[tilespmem:v10+s18+$0x0] =	vst.idx.msk $0xffff, v1;
	v10 =	vor.u32 v27, v8  }
0x1a8: {  	v34 =	vld [tilespmem:$0x1FD80];
	[tilespmem:v11+s18+$0x0] =	vst.idx.msk $0xffff, v1;
	v11 =	vor.u32 v28, v8  }
0x1a9: {  	v35 =	vld [tilespmem:$0x1FD90];
	[tilespmem:v12+s18+$0x0] =	vst.idx.msk $0xffff, v1;
	v12 =	vor.u32 v29, v8  }
0x1aa: {  	v36 =	vld [tilespmem:$0x1FDA0];
	[tilespmem:v13+s18+$0x0] =	vst.idx.msk $0xffff, v1;
	v13 =	vor.u32 v30, v8  }
0x1ab: {  	v37 =	vld [tilespmem:$0x1FDB0];
	[tilespmem:v9+s18+$0x0] =	vst.idx.msk $0xffff, v1;
	v9 =	vor.u32 v2, v8  }
0x1ac: {  	v38 =	vld [tilespmem:$0x1FDC0];
	[tilespmem:v10+s18+$0x0] =	vst.idx.msk $0xffff, v1;
	v10 =	vor.u32 v3, v8  }
0x1ad: {  	v39 =	vld [tilespmem:$0x1FDD0];
	[tilespmem:v11+s18+$0x0] =	vst.idx.msk $0xffff, v1;
	v11 =	vor.u32 v7, v8  }
0x1ae: {  	v40 =	vld [tilespmem:$0x1FDE0];
	[tilespmem:v12+s18+$0x0] =	vst.idx.msk $0xffff, v1;
	v12 =	vor.u32 v34, v8  }
0x1af: {  	v41 =	vld [tilespmem:$0x1FDF0];
	[tilespmem:v13+s18+$0x0] =	vst.idx.msk $0xffff, v1;
	v13 =	vor.u32 v35, v8  }
0x1b0: {  	v42 =	vld [tilespmem:$0x1FE00];
	[tilespmem:v9+s18+$0x0] =	vst.idx.msk $0xffff, v1;
	v9 =	vor.u32 v36, v8  }
0x1b1: {  	v43 =	vld [tilespmem:$0x1FE10];
	[tilespmem:v10+s18+$0x0] =	vst.idx.msk $0xffff, v1;
	v10 =	vor.u32 v37, v8  }
0x1b2: {  	v44 =	vld [tilespmem:$0x1FE20];
	[tilespmem:v11+s18+$0x0] =	vst.idx.msk $0xffff, v1;
	v11 =	vor.u32 v38, v8  }
0x1b3: {  	v45 =	vld [tilespmem:$0x1FE30];
	[tilespmem:v12+s18+$0x0] =	vst.idx.msk $0xffff, v1;
	v12 =	vor.u32 v39, v8  }
0x1b4: {  	v46 =	vld [tilespmem:$0x1FE40];
	[tilespmem:v13+s18+$0x0] =	vst.idx.msk $0xffff, v1;
	v13 =	vor.u32 v40, v8  }
0x1b5: {  	v47 =	vld [tilespmem:$0x1FE50];
	[tilespmem:v9+s18+$0x0] =	vst.idx.msk $0xffff, v1;
	v9 =	vor.u32 v41, v8  }
0x1b6: {  	v48 =	vld [tilespmem:$0x1FE60];
	[tilespmem:v10+s18+$0x0] =	vst.idx.msk $0xffff, v1;
	v10 =	vor.u32 v42, v8  }
0x1b7: {  	v49 =	vld [tilespmem:$0x1FE70];
	[tilespmem:v11+s18+$0x0] =	vst.idx.msk $0xffff, v1;
	v11 =	vor.u32 v43, v8  }
0x1b8: {  	v50 =	vld [tilespmem:$0x1FE80];
	[tilespmem:v12+s18+$0x0] =	vst.idx.msk $0xffff, v1;
	v12 =	vor.u32 v44, v8  }
0x1b9: {  	v51 =	vld [tilespmem:$0x1FE90];
	[tilespmem:v13+s18+$0x0] =	vst.idx.msk $0xffff, v1;
	v13 =	vor.u32 v45, v8  }
0x1ba: {  	v52 =	vld [tilespmem:$0x1FEA0];
	[tilespmem:v9+s18+$0x0] =	vst.idx.msk $0xffff, v1;
	v9 =	vor.u32 v46, v8  }
0x1bb: {  	v53 =	vld [tilespmem:$0x1FEB0];
	[tilespmem:v10+s18+$0x0] =	vst.idx.msk $0xffff, v1;
	v10 =	vor.u32 v47, v8  }
0x1bc: {  	v54 =	vld [tilespmem:$0x1FEC0];
	[tilespmem:v11+s18+$0x0] =	vst.idx.msk $0xffff, v1;
	v11 =	vor.u32 v48, v8  }
0x1bd: {  	v55 =	vld [tilespmem:$0x1FED0];
	[tilespmem:v12+s18+$0x0] =	vst.idx.msk $0xffff, v1;
	v12 =	vor.u32 v49, v8  }
0x1be: {  	v56 =	vld [tilespmem:$0x1FEE0];
	[tilespmem:v13+s18+$0x0] =	vst.idx.msk $0xffff, v1;
	v13 =	vor.u32 v50, v8  }
0x1bf: {  	v57 =	vld [tilespmem:$0x1FEF0];
	[tilespmem:v9+s18+$0x0] =	vst.idx.msk $0xffff, v1;
	v9 =	vor.u32 v51, v8  }
0x1c0: {  	v58 =	vld [tilespmem:$0x1FF00];
	[tilespmem:v10+s18+$0x0] =	vst.idx.msk $0xffff, v1;
	v10 =	vor.u32 v52, v8  }
0x1c1: {  	v59 =	vld [tilespmem:$0x1FF10];
	[tilespmem:v11+s18+$0x0] =	vst.idx.msk $0xffff, v1;
	v11 =	vor.u32 v53, v8  }
0x1c2: {  	v60 =	vld [tilespmem:$0x1FF20];
	[tilespmem:v12+s18+$0x0] =	vst.idx.msk $0xffff, v1;
	v12 =	vor.u32 v54, v8  }
0x1c3: {  	v61 =	vld [tilespmem:$0x1FF30];
	[tilespmem:v13+s18+$0x0] =	vst.idx.msk $0xffff, v1;
	v13 =	vor.u32 v55, v8  }
0x1c4: {  	v62 =	vld [tilespmem:$0x1FF40];
	[tilespmem:v9+s18+$0x0] =	vst.idx.msk $0xffff, v1;
	v9 =	vor.u32 v56, v8  }
0x1c5: {  	v63 =	vld [tilespmem:$0x1FF50];
	[tilespmem:v10+s18+$0x0] =	vst.idx.msk $0xffff, v1;
	v10 =	vor.u32 v57, v8  }
0x1c6: {  	v18 =	vld [tilespmem:$0x1FF60];
	[tilespmem:v11+s18+$0x0] =	vst.idx.msk $0xffff, v1;
	v11 =	vor.u32 v58, v8  }
0x1c7: {  	v19 =	vld [tilespmem:$0x1FF70];
	[tilespmem:v12+s18+$0x0] =	vst.idx.msk $0xffff, v1;
	v12 =	vor.u32 v59, v8  }
0x1c8: {  	v6 =	vld [tilespmem:$0x1FC50];
	[tilespmem:v13+s18+$0x0] =	vst.idx.msk $0xffff, v1;
	v13 =	vor.u32 v60, v8  }
0x1c9: {  	v31 =	vld [tilespmem:$0x1FF80];
	[tilespmem:v9+s18+$0x0] =	vst.idx.msk $0xffff, v1;
	v9 =	vor.u32 v61, v8  }
0x1ca: {  	v4 =	vld [tilespmem:$0x1FF90];
	[tilespmem:v10+s18+$0x0] =	vst.idx.msk $0xffff, v1;
	v10 =	vor.u32 v62, v8  }
0x1cb: {  	v20 =	vld [tilespmem:$0x1FFA0];
	[tilespmem:v11+s18+$0x0] =	vst.idx.msk $0xffff, v1;
	v11 =	vor.u32 v63, v8  }
0x1cc: {  	v5 =	vld [tilespmem:$0x1FFB0];
	v15 =	vor.u32 v18, v8;
	[tilespmem:v12+s18+$0x0] =	vst.idx.msk $0xffff, v1  }
0x1cd: {  	v21 =	vld [tilespmem:$0x1FC40];
	v16 =	vor.u32 v19, v8;
	[tilespmem:v13+s18+$0x0] =	vst.idx.msk $0xffff, v1  }
0x1ce: {  	[tilespmem:v9+s18+$0x0] =	vst.idx.msk $0xffff, v1  }
0x1cf: {  	[tilespmem:v10+s18+$0x0] =	vst.idx.msk $0xffff, v1  }
0x1d0: {  	v14 =	vor.u32 v4, v8;
	v12 =	vor.u32 v31, v8;
	[tilespmem:v11+s18+$0x0] =	vst.idx.msk $0xffff, v1  }
0x1d1: {  	v22 =	vld [tilespmem:$0x1FC60];
	v13 =	vor.u32 v5, v8;
	v9 =	vor.u32 v6, v8;
	[tilespmem:v15+s18+$0x0] =	vst.idx.msk $0xffff, v1  }
0x1d2: {  	s23 =	simm.s32 $0x1;
	v23 =	vld [tilespmem:$0x1FC70];
	v10 =	vor.u32 v21, v8;
	v11 =	vor.u32 v20, v8;
	[tilespmem:v16+s18+$0x0] =	vst.idx.msk $0xffff, v1  }
.LBB2_6:
0x1d3: {  	_ =	sdelay $0x1  }
0x1d4: {  	[tilespmem:v12+s18+$0x0] =	vst.idx.msk $0xffff, v1  }
0x1d5: {  	v15 =	vmov s23;
	[tilespmem:v14+s18+$0x0] =	vst.idx.msk $0xffff, v1  }
0x1d6: {  	v12 =	vshll.u32 v15, $0x7;
	[tilespmem:v11+s18+$0x0] =	vst.idx.msk $0xffff, v1  }
0x1d7: {  	v12 =	vbroadcast v12, $0x0;
	[tilespmem:v13+s18+$0x0] =	vst.idx.msk $0xffff, v1  }
0x1d8: {  	v14 =	vor.u32 v22, v8;
	v11 =	vor.u32 v23, v8;
	[tilespmem:v10+s18+$0x0] =	vst.idx.msk $0xffff, v1;
	v10 =	vld [tilespmem:$0x1FFC0]  }
0x1d9: {  	v13 =	vor.u32 v0, v8;
	v15 =	vor.u32 v17, v12;
	v16 =	vor.u32 v6, v12;
	v8 =	vmovc v12;
	v12 =	vld [tilespmem:$0x1FFD0];
	_ =	sdelay $0x3  }
0x1da: {  	[tilespmem:v9+s18+$0x0] =	vst.idx.msk $0xffff, v1;
	v10 =	vor.u32 v10, v8  }
0x1db: {  	[tilespmem:v14+s18+$0x0] =	vst.idx.msk $0xffff, v1;
	v12 =	vor.u32 v12, v8  }
0x1dc: {  	v14 =	vld [tilespmem:$0x1FFE0];
	[tilespmem:v11+s18+$0x0] =	vst.idx.msk $0xffff, v1  }
0x1dd: {  	v11 =	vld [tilespmem:$0x1FFF0];
	[tilespmem:v13+s18+$0x0] =	vst.idx.msk $0xffff, v1  }
0x1de: {  	[tilespmem:v15+s18+$0x0] =	vst.idx.msk $0xffff, v1  }
0x1df: {  	[tilespmem:v10+s18+$0x0] =	vst.idx.msk $0xffff, v1  }
0x1e0: {  	[tilespmem:v12+s18+$0x0] =	vst.idx.msk $0xffff, v1;
	v12 =	vld [tilespmem:$0x1FC80]  }
0x1e1: {  	v14 =	vor.u32 v14, v8  }
0x1e2: {  	v11 =	vor.u32 v11, v8  }
0x1e3: {  	v13 =	vor.u32 v32, v8  }
0x1e4: {  	v10 =	vor.u32 v33, v8  }
0x1e5: {  	v12 =	vor.u32 v12, v8  }
0x1e6: {  	[tilespmem:v14+s18+$0x0] =	vst.idx.msk $0xffff, v1;
	v14 =	vld [tilespmem:$0x1FC90]  }
0x1e7: {  	[tilespmem:v11+s18+$0x0] =	vst.idx.msk $0xffff, v1;
	v11 =	vld [tilespmem:$0x1FCA0]  }
0x1e8: {  	[tilespmem:v13+s18+$0x0] =	vst.idx.msk $0xffff, v1;
	v13 =	vld [tilespmem:$0x1FCB0]  }
0x1e9: {  	[tilespmem:v10+s18+$0x0] =	vst.idx.msk $0xffff, v1;
	v10 =	vld [tilespmem:$0x1FCC0]  }
0x1ea: {  	[tilespmem:v12+s18+$0x0] =	vst.idx.msk $0xffff, v1;
	v12 =	vld [tilespmem:$0x1FCD0]  }
0x1eb: {  	v14 =	vor.u32 v14, v8  }
0x1ec: {  	v11 =	vor.u32 v11, v8  }
0x1ed: {  	v13 =	vor.u32 v13, v8  }
0x1ee: {  	v10 =	vor.u32 v10, v8  }
0x1ef: {  	v12 =	vor.u32 v12, v8  }
0x1f0: {  	[tilespmem:v14+s18+$0x0] =	vst.idx.msk $0xffff, v1;
	v14 =	vor.u32 v24, v8  }
0x1f1: {  	[tilespmem:v11+s18+$0x0] =	vst.idx.msk $0xffff, v1;
	v11 =	vor.u32 v25, v8  }
0x1f2: {  	[tilespmem:v13+s18+$0x0] =	vst.idx.msk $0xffff, v1;
	v13 =	vor.u32 v26, v8  }
0x1f3: {  	[tilespmem:v10+s18+$0x0] =	vst.idx.msk $0xffff, v1;
	v10 =	vor.u32 v27, v8  }
0x1f4: {  	[tilespmem:v12+s18+$0x0] =	vst.idx.msk $0xffff, v1;
	v12 =	vor.u32 v28, v8  }
0x1f5: {  	[tilespmem:v14+s18+$0x0] =	vst.idx.msk $0xffff, v1;
	v14 =	vor.u32 v29, v8  }
0x1f6: {  	[tilespmem:v11+s18+$0x0] =	vst.idx.msk $0xffff, v1;
	v11 =	vor.u32 v30, v8  }
0x1f7: {  	[tilespmem:v13+s18+$0x0] =	vst.idx.msk $0xffff, v1;
	v13 =	vor.u32 v2, v8  }
0x1f8: {  	[tilespmem:v10+s18+$0x0] =	vst.idx.msk $0xffff, v1;
	v10 =	vor.u32 v3, v8  }
0x1f9: {  	[tilespmem:v12+s18+$0x0] =	vst.idx.msk $0xffff, v1;
	v12 =	vor.u32 v7, v8  }
0x1fa: {  	[tilespmem:v14+s18+$0x0] =	vst.idx.msk $0xffff, v1;
	v14 =	vor.u32 v34, v8  }
0x1fb: {  	[tilespmem:v11+s18+$0x0] =	vst.idx.msk $0xffff, v1;
	v11 =	vor.u32 v35, v8  }
0x1fc: {  	[tilespmem:v13+s18+$0x0] =	vst.idx.msk $0xffff, v1;
	v13 =	vor.u32 v36, v8  }
0x1fd: {  	[tilespmem:v10+s18+$0x0] =	vst.idx.msk $0xffff, v1;
	v10 =	vor.u32 v37, v8  }
0x1fe: {  	[tilespmem:v12+s18+$0x0] =	vst.idx.msk $0xffff, v1;
	v12 =	vor.u32 v38, v8  }
0x1ff: {  	[tilespmem:v14+s18+$0x0] =	vst.idx.msk $0xffff, v1;
	v14 =	vor.u32 v39, v8  }
0x200: {  	[tilespmem:v11+s18+$0x0] =	vst.idx.msk $0xffff, v1;
	v11 =	vor.u32 v40, v8  }
0x201: {  	[tilespmem:v13+s18+$0x0] =	vst.idx.msk $0xffff, v1;
	v13 =	vor.u32 v41, v8  }
0x202: {  	[tilespmem:v10+s18+$0x0] =	vst.idx.msk $0xffff, v1;
	v10 =	vor.u32 v42, v8  }
0x203: {  	[tilespmem:v12+s18+$0x0] =	vst.idx.msk $0xffff, v1;
	v12 =	vor.u32 v43, v8  }
0x204: {  	[tilespmem:v14+s18+$0x0] =	vst.idx.msk $0xffff, v1;
	v14 =	vor.u32 v44, v8  }
0x205: {  	[tilespmem:v11+s18+$0x0] =	vst.idx.msk $0xffff, v1;
	v11 =	vor.u32 v45, v8  }
0x206: {  	[tilespmem:v13+s18+$0x0] =	vst.idx.msk $0xffff, v1;
	v13 =	vor.u32 v46, v8  }
0x207: {  	[tilespmem:v10+s18+$0x0] =	vst.idx.msk $0xffff, v1;
	v10 =	vor.u32 v47, v8  }
0x208: {  	[tilespmem:v12+s18+$0x0] =	vst.idx.msk $0xffff, v1;
	v12 =	vor.u32 v48, v8  }
0x209: {  	[tilespmem:v14+s18+$0x0] =	vst.idx.msk $0xffff, v1;
	v14 =	vor.u32 v49, v8  }
0x20a: {  	[tilespmem:v11+s18+$0x0] =	vst.idx.msk $0xffff, v1;
	v11 =	vor.u32 v50, v8  }
0x20b: {  	[tilespmem:v13+s18+$0x0] =	vst.idx.msk $0xffff, v1;
	v13 =	vor.u32 v51, v8  }
0x20c: {  	[tilespmem:v10+s18+$0x0] =	vst.idx.msk $0xffff, v1;
	v10 =	vor.u32 v52, v8  }
0x20d: {  	[tilespmem:v12+s18+$0x0] =	vst.idx.msk $0xffff, v1;
	v12 =	vor.u32 v53, v8  }
0x20e: {  	[tilespmem:v14+s18+$0x0] =	vst.idx.msk $0xffff, v1;
	v14 =	vor.u32 v54, v8  }
0x20f: {  	[tilespmem:v11+s18+$0x0] =	vst.idx.msk $0xffff, v1;
	v11 =	vor.u32 v55, v8  }
0x210: {  	[tilespmem:v13+s18+$0x0] =	vst.idx.msk $0xffff, v1;
	v13 =	vor.u32 v56, v8  }
0x211: {  	[tilespmem:v10+s18+$0x0] =	vst.idx.msk $0xffff, v1;
	v10 =	vor.u32 v57, v8  }
0x212: {  	[tilespmem:v12+s18+$0x0] =	vst.idx.msk $0xffff, v1;
	v12 =	vor.u32 v58, v8  }
0x213: {  	[tilespmem:v14+s18+$0x0] =	vst.idx.msk $0xffff, v1;
	v14 =	vor.u32 v59, v8  }
0x214: {  	[tilespmem:v11+s18+$0x0] =	vst.idx.msk $0xffff, v1;
	v11 =	vor.u32 v60, v8  }
0x215: {  	[tilespmem:v13+s18+$0x0] =	vst.idx.msk $0xffff, v1;
	v13 =	vor.u32 v61, v8  }
0x216: {  	[tilespmem:v10+s18+$0x0] =	vst.idx.msk $0xffff, v1;
	v10 =	vor.u32 v62, v8  }
0x217: {  	v15 =	vor.u32 v63, v8;
	[tilespmem:v12+s18+$0x0] =	vst.idx.msk $0xffff, v1  }
0x218: {  	v9 =	vmov v16;
	v16 =	vor.u32 v18, v8;
	[tilespmem:v14+s18+$0x0] =	vst.idx.msk $0xffff, v1  }
0x219: {  	p0 =	sne.s32 s23, $0x7;
	v17 =	vor.u32 v19, v8;
	[tilespmem:v11+s18+$0x0] =	vst.idx.msk $0xffff, v1  }
.Ltmp2:
0x21a: {  	[tilespmem:v13+s18+$0x0] =	vst.idx.msk $0xffff, v1;
	(pc) =	sbr.rel @p0 .LBB2_6-.Ltmp2, $4  }
0x21b: {  	[tilespmem:v10+s18+$0x0] =	vst.idx.msk $0xffff, v1  }
0x21c: {  	v12 =	vor.u32 v31, v8;
	[tilespmem:v15+s18+$0x0] =	vst.idx.msk $0xffff, v1  }
0x21d: {  	v14 =	vor.u32 v4, v8;
	v11 =	vor.u32 v20, v8;
	[tilespmem:v16+s18+$0x0] =	vst.idx.msk $0xffff, v1  }
0x21e: {  	s23 =	sadd.s32 $0x1, s23;
	v13 =	vor.u32 v5, v8;
	v10 =	vor.u32 v21, v8;
	[tilespmem:v17+s18+$0x0] =	vst.idx.msk $0xffff, v1;
	v17 =	vlaneseq.u32  }
0x21f: {  	_ =	sdelay $0x1  }
0x220: {  	v26 =	vld [tilespmem:$0x1FFC0]  }
0x221: {  	v27 =	vld [tilespmem:$0x1FFD0]  }
0x222: {  	[tilespmem:v12+s18+$0x0] =	vst.idx.msk $0xffff, v1;
	v28 =	vld [tilespmem:$0x1FFE0]  }
0x223: {  	v62 =	vor.u32 v22, v8;
	v29 =	vld [tilespmem:$0x1FFF0];
	[tilespmem:v14+s18+$0x0] =	vst.idx.msk $0xffff, v1  }
0x224: {  	v63 =	vor.u32 v23, v8;
	v3 =	vld [tilespmem:$0x1FC10];
	[tilespmem:v11+s18+$0x0] =	vst.idx.msk $0xffff, v1  }
0x225: {  	v0 =	vor.u32 v0, v8;
	v4 =	vld [tilespmem:$0x1FC00];
	[tilespmem:v13+s18+$0x0] =	vst.idx.msk $0xffff, v1  }
0x226: {  	v5 =	vld [tilespmem:$0x1FBF0];
	[tilespmem:v10+s18+$0x0] =	vst.idx.msk $0xffff, v1  }
0x227: {  	v6 =	vld [tilespmem:$0x1FBE0];
	[tilespmem:v9+s18+$0x0] =	vst.idx.msk $0xffff, v1  }
0x228: {  	v7 =	vld [tilespmem:$0x1FBD0];
	[tilespmem:v62+s18+$0x0] =	vst.idx.msk $0xffff, v1  }
0x229: {  	v18 =	vld [tilespmem:$0x1FBC0];
	[tilespmem:v63+s18+$0x0] =	vst.idx.msk $0xffff, v1  }
0x22a: {  	v2 =	vimm.f32 $1.000000000e+00;
	v19 =	vld [tilespmem:$0x1FBB0];
	[tilespmem:v0+s18+$0x0] =	vst.idx.msk $0xffff, v1  }
.LBB2_8:
0x22b: {  	v0 =	vmov s22  }
0x22c: {  	v0 =	vshll.u32 v0, $0x7  }
0x22d: {  	v0 =	vbroadcast v0, $0x0;
	_ =	sdelay $0x1  }
0x22e: {  	v8 =	vor.u32 v3, v0;
	_ =	sdelay $0x1  }
0x22f: {  	v9 =	vor.u32 v4, v0;
	_ =	sdelay $0x1  }
0x230: {  	v10 =	vor.u32 v5, v0  }
0x231: {  	v11 =	vor.u32 v6, v0;
	v12 =	vld.idx.msk [tilespmem:v8+s11+$0x0], $0xffff  }
0x232: {  	v13 =	vor.u32 v18, v0  }
0x233: {  	v8 =	vor.u32 v7, v0;
	v14 =	vld.idx.msk [tilespmem:v9+s11+$0x0], $0xffff  }
0x234: {  	v15 =	vor.u32 v19, v0  }
0x235: {  	v16 =	vld.idx.msk [tilespmem:v10+s11+$0x0], $0xffff  }
0x236: {  	v11 =	vld.idx.msk [tilespmem:v11+s11+$0x0], $0xffff  }
0x237: {  	v42 =	vld.idx.msk [tilespmem:v13+s11+$0x0], $0xffff  }
0x238: {  	v41 =	vld.idx.msk [tilespmem:v8+s11+$0x0], $0xffff  }
0x239: {  	v8 =	vld.idx.msk [tilespmem:v15+s11+$0x0], $0xffff;
	[tilespmem:v12+s15+$0x0] =	vst.idx.msk $0xffff, v1  }
0x23a: {  	[tilespmem:v12+s16+$0x0] =	vst.idx.msk $0xffff, v1  }
0x23b: {  	[tilespmem:v14+s15+$0x0] =	vst.idx.msk $0xffff, v1  }
0x23c: {  	[tilespmem:v14+s16+$0x0] =	vst.idx.msk $0xffff, v1  }
0x23d: {  	[tilespmem:v16+s15+$0x0] =	vst.idx.msk $0xffff, v1  }
0x23e: {  	[tilespmem:v16+s16+$0x0] =	vst.idx.msk $0xffff, v1  }
0x23f: {  	[tilespmem:v11+s15+$0x0] =	vst.idx.msk $0xffff, v1  }
0x240: {  	[tilespmem:v11+s16+$0x0] =	vst.idx.msk $0xffff, v1  }
0x241: {  	[tilespmem:v41+s15+$0x0] =	vst.idx.msk $0xffff, v1  }
0x242: {  	v43 =	vor.u32 v17, v0;
	[tilespmem:v41+s16+$0x0] =	vst.idx.msk $0xffff, v1  }
0x243: {  	[tilespmem:v42+s15+$0x0] =	vst.idx.msk $0xffff, v1  }
0x244: {  	[tilespmem:v42+s16+$0x0] =	vst.idx.msk $0xffff, v1  }
0x245: {  	[tilespmem:v8+s15+$0x0] =	vst.idx.msk $0x7, v1  }
0x246: {  	[tilespmem:v8+s16+$0x0] =	vst.idx.msk $0x7, v1  }
0x247: {  	v13 =	vld.idx.msk [tilespmem:v43+s11+$0x0], $0xffff;
	_ =	sdelay $0x4  }
0x248: {  	v15 =	vshll.u32 v13, $0x3  }
0x249: {  	v13 =	vand.u32 $0x7F, v13;
	v15 =	vand.u32 $0xFFFFFC00, v15  }
0x24a: {  	v13 =	vor.u32 v15, v13  }
0x24b: {  	v13 =	vor.u32 v0, v13;
	_ =	sdelay $0x4  }
0x24c: {  	v13 =	vld.idx.msk [tilespmem:v13+s12+$0x0], $0xffff;
	_ =	sdelay $0x1  }
0x24d: {  	v15 =	vor.u32 v26, v0;
	_ =	sdelay $0x2  }
0x24e: {  	[tilespmem:v12+s15+$0x0] =	vst.idx.add.f32.msk $0xffff, v13  }
0x24f: {  	[tilespmem:v12+s16+$0x0] =	vst.idx.add.f32.msk $0xffff, v2  }
0x250: {  	v13 =	vld.idx.msk [tilespmem:v15+s11+$0x0], $0xffff;
	_ =	sdelay $0x4  }
0x251: {  	v15 =	vshll.u32 v13, $0x3  }
0x252: {  	v13 =	vand.u32 $0x7F, v13;
	v15 =	vand.u32 $0xFFFFFC00, v15  }
0x253: {  	v13 =	vor.u32 v15, v13  }
0x254: {  	v13 =	vor.u32 v0, v13;
	_ =	sdelay $0x4  }
0x255: {  	v13 =	vld.idx.msk [tilespmem:v13+s12+$0x0], $0xffff;
	_ =	sdelay $0x1  }
0x256: {  	v15 =	vor.u32 v27, v0;
	_ =	sdelay $0x2  }
0x257: {  	[tilespmem:v14+s15+$0x0] =	vst.idx.add.f32.msk $0xffff, v13  }
0x258: {  	[tilespmem:v14+s16+$0x0] =	vst.idx.add.f32.msk $0xffff, v2  }
0x259: {  	v13 =	vld.idx.msk [tilespmem:v15+s11+$0x0], $0xffff;
	_ =	sdelay $0x4  }
0x25a: {  	v15 =	vshll.u32 v13, $0x3  }
0x25b: {  	v13 =	vand.u32 $0x7F, v13;
	v15 =	vand.u32 $0xFFFFFC00, v15  }
0x25c: {  	v13 =	vor.u32 v15, v13  }
0x25d: {  	v13 =	vor.u32 v0, v13;
	_ =	sdelay $0x4  }
0x25e: {  	v13 =	vld.idx.msk [tilespmem:v13+s12+$0x0], $0xffff;
	_ =	sdelay $0x1  }
0x25f: {  	v15 =	vor.u32 v28, v0;
	_ =	sdelay $0x2  }
0x260: {  	[tilespmem:v16+s15+$0x0] =	vst.idx.add.f32.msk $0xffff, v13  }
0x261: {  	[tilespmem:v16+s16+$0x0] =	vst.idx.add.f32.msk $0xffff, v2  }
0x262: {  	v13 =	vld.idx.msk [tilespmem:v15+s11+$0x0], $0xffff;
	_ =	sdelay $0x4  }
0x263: {  	v15 =	vshll.u32 v13, $0x3  }
0x264: {  	v13 =	vand.u32 $0x7F, v13;
	v15 =	vand.u32 $0xFFFFFC00, v15  }
0x265: {  	v13 =	vor.u32 v15, v13  }
0x266: {  	v13 =	vor.u32 v0, v13;
	_ =	sdelay $0x4  }
0x267: {  	v13 =	vld.idx.msk [tilespmem:v13+s12+$0x0], $0xffff;
	_ =	sdelay $0x1  }
0x268: {  	v15 =	vor.u32 v29, v0;
	_ =	sdelay $0x2  }
0x269: {  	[tilespmem:v11+s15+$0x0] =	vst.idx.add.f32.msk $0xffff, v13  }
0x26a: {  	[tilespmem:v11+s16+$0x0] =	vst.idx.add.f32.msk $0xffff, v2  }
0x26b: {  	v13 =	vld.idx.msk [tilespmem:v15+s11+$0x0], $0xffff;
	_ =	sdelay $0x4  }
0x26c: {  	v15 =	vshll.u32 v13, $0x3  }
0x26d: {  	v13 =	vand.u32 $0x7F, v13;
	v15 =	vand.u32 $0xFFFFFC00, v15  }
0x26e: {  	v13 =	vor.u32 v15, v13  }
0x26f: {  	v13 =	vor.u32 v0, v13;
	_ =	sdelay $0x4  }
0x270: {  	v13 =	vld.idx.msk [tilespmem:v13+s12+$0x0], $0xffff;
	_ =	sdelay $0x1  }
0x271: {  	v15 =	vor.u32 v32, v0;
	_ =	sdelay $0x2  }
0x272: {  	[tilespmem:v41+s15+$0x0] =	vst.idx.add.f32.msk $0xffff, v13  }
0x273: {  	[tilespmem:v41+s16+$0x0] =	vst.idx.add.f32.msk $0xffff, v2  }
0x274: {  	v13 =	vld.idx.msk [tilespmem:v15+s11+$0x0], $0xffff;
	_ =	sdelay $0x4  }
0x275: {  	v15 =	vshll.u32 v13, $0x3  }
0x276: {  	v13 =	vand.u32 $0x7F, v13;
	v15 =	vand.u32 $0xFFFFFC00, v15  }
0x277: {  	v13 =	vor.u32 v15, v13  }
0x278: {  	v13 =	vor.u32 v0, v13;
	_ =	sdelay $0x4  }
0x279: {  	v13 =	vld.idx.msk [tilespmem:v13+s12+$0x0], $0xffff;
	_ =	sdelay $0x1  }
0x27a: {  	v15 =	vor.u32 v33, v0;
	_ =	sdelay $0x2  }
0x27b: {  	[tilespmem:v42+s15+$0x0] =	vst.idx.add.f32.msk $0xffff, v13  }
0x27c: {  	[tilespmem:v42+s16+$0x0] =	vst.idx.add.f32.msk $0xffff, v2  }
0x27d: {  	v13 =	vld.idx.msk [tilespmem:v15+s11+$0x0], $0xffff;
	_ =	sdelay $0x4  }
0x27e: {  	v15 =	vshll.u32 v13, $0x3  }
0x27f: {  	v13 =	vand.u32 $0x7F, v13;
	v15 =	vand.u32 $0xFFFFFC00, v15  }
0x280: {  	v13 =	vor.u32 v15, v13  }
0x281: {  	v13 =	vor.u32 v0, v13;
	_ =	sdelay $0x4  }
0x282: {  	v13 =	vld.idx.msk [tilespmem:v13+s12+$0x0], $0xffff;
	_ =	sdelay $0x4  }
0x283: {  	[tilespmem:v8+s15+$0x0] =	vst.idx.add.f32.msk $0x7, v13  }
0x284: {  	[tilespmem:v8+s16+$0x0] =	vst.idx.add.f32.msk $0x7, v2  }
0x285: {  	v13 =	vld.idx.msk [tilespmem:v12+s16+$0x0], $0xffff;
	_ =	sdelay $0x4  }
0x286: {  	v13 =	vmax.f32 v13, $1.000000000e+00  }
0x287: {  	(erf) = vrcp.f32 v13;
	_ =	sdelay $0x3  }
0x288: {  	v44 =	vshll.u32 v12, $0x3  }
0x289: {  	v15 =	vand.u32 $0x7F, v12;
	v12 =	vld.idx.msk [tilespmem:v12+s15+$0x0], $0xffff;
	v13 =	vand.u32 $0xFFFFFC00, v44  }
0x28a: {  	v13 =	vor.u32 v13, v15  }
0x28b: {  	v13 =	vor.u32 v0, v13;
	_ =	sdelay $0x1  }
0x28c: {  	v15 =	vpop (erf)  }
0x28d: {  	v12 =	vmul.f32 v15, v12;
	_ =	sdelay $0x1  }
0x28e: {  	[tilespmem:v13+s18+$0x0] =	vst.idx.msk $0xffff, v12  }
0x28f: {  	v12 =	vld.idx.msk [tilespmem:v14+s16+$0x0], $0xffff;
	_ =	sdelay $0x4  }
0x290: {  	v12 =	vmax.f32 v12, $1.000000000e+00  }
0x291: {  	(erf) = vrcp.f32 v12;
	_ =	sdelay $0x3  }
0x292: {  	v45 =	vshll.u32 v14, $0x3  }
0x293: {  	v46 =	vand.u32 $0x7F, v14;
	v14 =	vld.idx.msk [tilespmem:v14+s15+$0x0], $0xffff;
	v12 =	vand.u32 $0xFFFFFC00, v45  }
0x294: {  	v12 =	vor.u32 v12, v46  }
0x295: {  	v12 =	vor.u32 v0, v12;
	_ =	sdelay $0x1  }
0x296: {  	v47 =	vpop (erf)  }
0x297: {  	v13 =	vmul.f32 v47, v14;
	_ =	sdelay $0x1  }
0x298: {  	[tilespmem:v12+s18+$0x0] =	vst.idx.msk $0xffff, v13  }
0x299: {  	v12 =	vld.idx.msk [tilespmem:v16+s16+$0x0], $0xffff;
	_ =	sdelay $0x4  }
0x29a: {  	v12 =	vmax.f32 v12, $1.000000000e+00  }
0x29b: {  	(erf) = vrcp.f32 v12;
	_ =	sdelay $0x3  }
0x29c: {  	v48 =	vshll.u32 v16, $0x3  }
0x29d: {  	v49 =	vand.u32 $0x7F, v16;
	v50 =	vld.idx.msk [tilespmem:v16+s15+$0x0], $0xffff;
	v12 =	vand.u32 $0xFFFFFC00, v48  }
0x29e: {  	v12 =	vor.u32 v12, v49  }
0x29f: {  	v12 =	vor.u32 v0, v12;
	_ =	sdelay $0x1  }
0x2a0: {  	v51 =	vpop (erf)  }
0x2a1: {  	v13 =	vmul.f32 v51, v50;
	_ =	sdelay $0x1  }
0x2a2: {  	[tilespmem:v12+s18+$0x0] =	vst.idx.msk $0xffff, v13  }
0x2a3: {  	v12 =	vld.idx.msk [tilespmem:v11+s16+$0x0], $0xffff;
	_ =	sdelay $0x4  }
0x2a4: {  	v12 =	vmax.f32 v12, $1.000000000e+00  }
0x2a5: {  	(erf) = vrcp.f32 v12;
	_ =	sdelay $0x3  }
0x2a6: {  	v52 =	vshll.u32 v11, $0x3  }
0x2a7: {  	v53 =	vand.u32 $0x7F, v11;
	v11 =	vld.idx.msk [tilespmem:v11+s15+$0x0], $0xffff;
	v12 =	vand.u32 $0xFFFFFC00, v52  }
0x2a8: {  	v12 =	vor.u32 v12, v53  }
0x2a9: {  	v12 =	vor.u32 v0, v12;
	_ =	sdelay $0x1  }
0x2aa: {  	v54 =	vpop (erf)  }
0x2ab: {  	v11 =	vmul.f32 v54, v11;
	_ =	sdelay $0x1  }
0x2ac: {  	[tilespmem:v12+s18+$0x0] =	vst.idx.msk $0xffff, v11  }
0x2ad: {  	v11 =	vld.idx.msk [tilespmem:v41+s16+$0x0], $0xffff;
	_ =	sdelay $0x4  }
0x2ae: {  	v11 =	vmax.f32 v11, $1.000000000e+00  }
0x2af: {  	(erf) = vrcp.f32 v11;
	_ =	sdelay $0x3  }
0x2b0: {  	v55 =	vshll.u32 v41, $0x3  }
0x2b1: {  	v56 =	vand.u32 $0x7F, v41;
	v10 =	vld.idx.msk [tilespmem:v41+s15+$0x0], $0xffff;
	v11 =	vand.u32 $0xFFFFFC00, v55  }
0x2b2: {  	v11 =	vor.u32 v11, v56  }
0x2b3: {  	v11 =	vor.u32 v0, v11;
	_ =	sdelay $0x1  }
0x2b4: {  	v57 =	vpop (erf)  }
0x2b5: {  	v10 =	vmul.f32 v57, v10;
	_ =	sdelay $0x1  }
0x2b6: {  	[tilespmem:v11+s18+$0x0] =	vst.idx.msk $0xffff, v10  }
0x2b7: {  	v10 =	vld.idx.msk [tilespmem:v42+s16+$0x0], $0xffff;
	_ =	sdelay $0x4  }
0x2b8: {  	v10 =	vmax.f32 v10, $1.000000000e+00  }
0x2b9: {  	(erf) = vrcp.f32 v10;
	_ =	sdelay $0x3  }
0x2ba: {  	v58 =	vshll.u32 v42, $0x3  }
0x2bb: {  	v59 =	vand.u32 $0x7F, v42;
	v9 =	vld.idx.msk [tilespmem:v42+s15+$0x0], $0xffff;
	v10 =	vand.u32 $0xFFFFFC00, v58  }
0x2bc: {  	v10 =	vor.u32 v10, v59  }
0x2bd: {  	v10 =	vor.u32 v0, v10;
	_ =	sdelay $0x1  }
0x2be: {  	v60 =	vpop (erf)  }
0x2bf: {  	v9 =	vmul.f32 v60, v9;
	_ =	sdelay $0x1  }
0x2c0: {  	[tilespmem:v10+s18+$0x0] =	vst.idx.msk $0xffff, v9  }
0x2c1: {  	v9 =	vld.idx.msk [tilespmem:v8+s16+$0x0], $0xffff;
	_ =	sdelay $0x4  }
0x2c2: {  	v9 =	vmax.f32 v9, $1.000000000e+00  }
0x2c3: {  	(erf) = vrcp.f32 v9;
	_ =	sdelay $0x3  }
0x2c4: {  	v61 =	vshll.u32 v8, $0x3  }
0x2c5: {  	v62 =	vand.u32 $0x7F, v8;
	v8 =	vld.idx.msk [tilespmem:v8+s15+$0x0], $0xffff;
	v9 =	vand.u32 $0xFFFFFC00, v61  }
0x2c6: {  	v9 =	vor.u32 v9, v62  }
0x2c7: {  	p0 =	sne.s32 s22, $0x7;
	v0 =	vor.u32 v0, v9  }
.Ltmp3:
0x2c8: {  	_ = 	snop;
	(pc) =	sbr.rel @p0 .LBB2_8-.Ltmp3, $3  }
0x2c9: {  	v63 =	vpop (erf)  }
0x2ca: {  	v8 =	vmul.f32 v63, v8;
	_ =	sdelay $0x1  }
0x2cb: {  	s22 =	sadd.s32 $0x1, s22;
	[tilespmem:v0+s18+$0x0] =	vst.idx.msk $0x7, v8  }
0x2cc: {  	[hbm4b:s8+s1] =	stream.linear.scatter [tilespmem:s18], [sflag:$0x4], $0x2000, $0x38;
	[tilespmem:$0x9000] =	vst v63  }
0x2cd: {  	_ =	swait.ge [sflag:s19], $0x2000  }
0x2ce: {  	[sflag:s19] =	ssyncset.done $0x0  }
0x2cf: {  	[sflag:s19] =	ssyncadd.s32 $0xFFFFE000  }
0x2d0: {  	_ =	swait.ge [sflag:s20], $0x2000  }
0x2d1: {  	v13 =	vld [tilespmem:$0x1FC80]  }
0x2d2: {  	v14 =	vld [tilespmem:$0x1FC90]  }
0x2d3: {  	v15 =	vld [tilespmem:$0x1FCA0]  }
0x2d4: {  	v16 =	vld [tilespmem:$0x1FCB0]  }
0x2d5: {  	v18 =	vld [tilespmem:$0x1FCC0]  }
0x2d6: {  	v19 =	vld [tilespmem:$0x1FCD0]  }
0x2d7: {  	v20 =	vld [tilespmem:$0x1FCE0]  }
0x2d8: {  	v21 =	vld [tilespmem:$0x1FCF0]  }
0x2d9: {  	v22 =	vld [tilespmem:$0x1FD00]  }
0x2da: {  	v23 =	vld [tilespmem:$0x1FD10]  }
0x2db: {  	v24 =	vld [tilespmem:$0x1FD20]  }
0x2dc: {  	v25 =	vld [tilespmem:$0x1FD30]  }
0x2dd: {  	v30 =	vld [tilespmem:$0x1FD40]  }
0x2de: {  	v2 =	vld [tilespmem:$0x1FD50]  }
0x2df: {  	v3 =	vld [tilespmem:$0x1FD60]  }
0x2e0: {  	v7 =	vld [tilespmem:$0x1FD70]  }
0x2e1: {  	v34 =	vld [tilespmem:$0x1FD80]  }
0x2e2: {  	v35 =	vld [tilespmem:$0x1FD90]  }
0x2e3: {  	v36 =	vld [tilespmem:$0x1FDA0]  }
0x2e4: {  	v37 =	vld [tilespmem:$0x1FDB0]  }
0x2e5: {  	v38 =	vld [tilespmem:$0x1FDC0]  }
0x2e6: {  	v39 =	vld [tilespmem:$0x1FDD0]  }
0x2e7: {  	v40 =	vld [tilespmem:$0x1FDE0]  }
0x2e8: {  	v41 =	vld [tilespmem:$0x1FDF0]  }
0x2e9: {  	v42 =	vld [tilespmem:$0x1FE00]  }
0x2ea: {  	v43 =	vld [tilespmem:$0x1FE10]  }
0x2eb: {  	v44 =	vld [tilespmem:$0x1FE20]  }
0x2ec: {  	v45 =	vld [tilespmem:$0x1FE30]  }
0x2ed: {  	v46 =	vld [tilespmem:$0x1FE40]  }
0x2ee: {  	v47 =	vld [tilespmem:$0x1FE50]  }
0x2ef: {  	v48 =	vld [tilespmem:$0x1FE60]  }
0x2f0: {  	v49 =	vld [tilespmem:$0x1FE70]  }
0x2f1: {  	v50 =	vld [tilespmem:$0x1FE80]  }
0x2f2: {  	v51 =	vld [tilespmem:$0x1FE90]  }
0x2f3: {  	v52 =	vld [tilespmem:$0x1FEA0]  }
0x2f4: {  	v53 =	vld [tilespmem:$0x1FEB0]  }
0x2f5: {  	v54 =	vld [tilespmem:$0x1FEC0]  }
0x2f6: {  	v55 =	vld [tilespmem:$0x1FED0]  }
0x2f7: {  	v56 =	vld [tilespmem:$0x1FEE0]  }
0x2f8: {  	v57 =	vld [tilespmem:$0x1FEF0]  }
0x2f9: {  	v58 =	vld [tilespmem:$0x1FF00]  }
0x2fa: {  	v59 =	vld [tilespmem:$0x1FF10]  }
0x2fb: {  	v60 =	vld [tilespmem:$0x1FF20]  }
0x2fc: {  	v61 =	vld [tilespmem:$0x1FF30]  }
0x2fd: {  	v62 =	vld [tilespmem:$0x1FF40]  }
0x2fe: {  	s21 =	sadd.s32 $0x1, s21;
	v63 =	vld [tilespmem:$0x1FF50]  }
0x2ff: {  	p0 =	sne.s32 s21, s9;
	v32 =	vld [tilespmem:$0x1FF60]  }
.Ltmp4:
0x300: {  	v33 =	vld [tilespmem:$0x1FF70];
	(pc) =	sbr.rel @p0 .LBB2_1-.Ltmp4, $4  }
0x301: {  	v31 =	vld [tilespmem:$0x1FF80]  }
0x302: {  	v4 =	vld [tilespmem:$0x1FF90]  }
0x303: {  	[sflag:s20] =	ssyncset.done $0x0;
	v5 =	vld [tilespmem:$0x1FFA0]  }
0x304: {  	v6 =	vld [tilespmem:$0x1FFB0];
	[sflag:s20] =	ssyncadd.s32 $0xFFFFE000  }
0x305: {  	_ =	sfence.sel $0x180000  }
0x306: {  	[bflag:$0x0] =	sbarrier.arrive $0xFFFF  }
0x307: {  	p0 =	sne.s32 s2, $0x0;
	_ =	strace $0x90000047  }
0x308: {  	s0 =	sadd.s32 @!p0 $0x100000, s0;
	[bflag:$0x2] =	sbarrier.arrive $0xFFFF  }
0x309: {  	[sflag:s0] =	ssyncadd.tile.s32 @!p0 $0x1;
	_ =	shalt  }
.Lfunc_end2:
_tile_overlayer_lowered:
.L_overlay_start_2:
0x30a: {  	(tag) =	ssettag $0x2  }
0x30b: {  	s0 =	rddreg [dreg:$0x0];
	s2 =	stileid.u32  }
0x30c: {  	s1 =	rddreg [dreg:$0x1];
	p0 =	sne.s32 s2, $0x0  }
0x30d: {  	s3 =	rddreg [dreg:$0x2];
	[bflag:$0x3] =	sbarrier.arrive $0xFFFF;
	s2 =	simm.s32 @!p0 $0x1C05  }
0x30e: {  	[timem:s3], [sflag:s2] =	dma.local @!p0 [hbm:s0], s1  }
0x30f: {  	s0 =	simm.s32 @!p0 $0x5  }
0x310: {  	_ =	swait.ge @!p0 [sflag:s0], s1  }
0x311: {  	s1 =	ssub.s32 @!p0 $0x0, s1;
	[sflag:s0] =	ssyncset.done @!p0 $0x0  }
0x312: {  	[sflag:s0] =	ssyncadd.s32 @!p0 s1  }
0x313: {  	[bflag:$0x3] =	sbarrier.arrive $0xFFFF  }
0x314: {  	_ =	shalt  }

</sc_bundles>
